<compile_context>
chip_gen: v7x
topology: tpu7x:2x2x1
jax: 0.10.2.dev20260603
libtpu: 0.0.44.dev20260713+nightly
codegen_flags: <defaults>
</compile_context>

<pallas_src>
import functools

import jax
import jax.numpy as jnp
from jax import lax
from jax.experimental import pallas as pl
from jax.experimental.pallas import tpu as pltpu
from jax.experimental.pallas import tpu_sc as plsc

NC = 2
NS = 16
L = 16
NW = NC * NS
NBINS = 10
NSLOT = NBINS + 1
CH = 16384
UN = 8


def _sc_partials(x, y):
    n = x.shape[0]
    per_w = n // NW
    n_chunks = per_w // CH
    mesh = plsc.VectorSubcoreMesh(
        core_axis_name="c", subcore_axis_name="s", num_cores=NC, num_subcores=NS
    )

    @functools.partial(
        pl.kernel,
        out_type=jax.ShapeDtypeStruct((NW, NSLOT * L), jnp.float32),
        mesh=mesh,
        scratch_types=[
            pltpu.VMEM((2, CH), jnp.float32),
            pltpu.VMEM((2, CH), jnp.int32),
            pltpu.VMEM((NSLOT * L,), jnp.float32),
            pltpu.SemaphoreType.DMA,
            pltpu.SemaphoreType.DMA,
            pltpu.SemaphoreType.DMA,
            pltpu.SemaphoreType.DMA,
        ],
        compiler_params=pltpu.CompilerParams(
            needs_layout_passes=False, use_tc_tiling_on_sc=False
        ),
    )
    def body(x_hbm, y_hbm, out_hbm, xbuf, ybuf, acc, sx0, sx1, sy0, sy1):
        sems = ((sx0, sy0), (sx1, sy1))
        wid = lax.axis_index("s") * NC + lax.axis_index("c")
        base = wid * per_w
        for k in range(NSLOT):
            acc[pl.ds(k * L, L)] = jnp.zeros((L,), jnp.float32)
        lanes = lax.iota(jnp.int32, L)

        def start(ci, b):
            off = base + ci * CH
            pltpu.async_copy(x_hbm.at[pl.ds(off, CH)], xbuf.at[b], sems[b][0])
            pltpu.async_copy(y_hbm.at[pl.ds(off, CH)], ybuf.at[b], sems[b][1])

        def wait(b):
            pltpu.make_async_copy(x_hbm.at[pl.ds(0, CH)], xbuf.at[b], sems[b][0]).wait()
            pltpu.make_async_copy(y_hbm.at[pl.ds(0, CH)], ybuf.at[b], sems[b][1]).wait()

        start(0, 0)

        def chunk2(co, carry):
            for b in range(2):
                ci = co * 2 + b

                @pl.when(ci + 1 < n_chunks)
                def _():
                    start(ci + 1, b ^ 1)

                wait(b)

                def vec_body(vi, c2):
                    o0 = vi * (L * UN)
                    xs = [xbuf[b, pl.ds(o0 + u * L, L)] for u in range(UN)]
                    ys = [ybuf[b, pl.ds(o0 + u * L, L)] for u in range(UN)]
                    es = [jnp.exp(-xv) for xv in xs]
                    ps = [1.0 / (1.0 + e) for e in es]
                    for u in range(UN):
                        p = ps[u]
                        bb = (p * 10.0).astype(jnp.int32)
                        yf = ys[u].astype(jnp.float32)
                        av = jnp.where(xs[u] > 0.0, yf, 1.0 - yf)
                        plsc.addupdate_scatter(acc, [bb * L + lanes], p - av)
                    return c2

                lax.fori_loop(0, CH // (L * UN), vec_body, 0)
            return carry

        lax.fori_loop(0, n_chunks // 2, chunk2, 0)
        pltpu.sync_copy(acc, out_hbm.at[wid])

    return body(x, y)


def _combine(part_ref, out_ref, *, inv_n):
    colsum = jnp.sum(part_ref[...], axis=0, keepdims=True)
    grp = lax.broadcasted_iota(jnp.int32, (1, NSLOT * L), 1) // L
    d = []
    for k in range(NSLOT):
        d.append(jnp.sum(jnp.where(grp == k, colsum, 0.0)))
    total = jnp.abs(d[NBINS - 1] + d[NBINS])
    for k in range(NBINS - 1):
        total = total + jnp.abs(d[k])
    out_ref[...] = jnp.full((1, 1), total * inv_n, jnp.float32)


def kernel(logits, labels):
    n = logits.shape[0]
    x = logits.reshape(n)
    y = labels.reshape(n)
    partials = _sc_partials(x, y)
    ece = pl.pallas_call(
        functools.partial(_combine, inv_n=1.0 / float(n)),
        out_shape=jax.ShapeDtypeStruct((1, 1), jnp.float32),
    )(partials)
    return ece.reshape(1)

# --- scband reference (transcript-rebuilt; emitter-appended) ---
"""Pipeline reference for scband-eceloss-55327768707242 (READ-ONLY COPY).

The authoritative reference and input builder live on the scoring server;
editing this copy changes nothing except your own understanding.
"""

import jax, jax.numpy as jnp
import numpy as np

N_BINS = 10
N = 4194304

def setup_inputs(seed: int = 0) -> dict:
    key = jax.random.key(seed)
    k1, k2 = jax.random.split(key)
    logits = jax.random.normal(k1, (N, 1), dtype=jnp.float32)
    labels = jax.random.randint(k2, (N, 1), 0, 2, dtype=jnp.int32)
    return {"logits": logits, "labels": labels}

def reference(logits, labels):
    probs = jax.nn.sigmoid(logits)
    labels_f = labels.astype(jnp.float32)
    predictions = (probs > 0.5).astype(jnp.float32)
    accuracies = (predictions == labels_f).astype(jnp.float32)
    boundaries = np.linspace(0.0, 1.0, N_BINS + 1)
    n_total = float(probs.size)
    ece = jnp.zeros((1,), dtype=jnp.float32)
    for bin_lower, bin_upper in zip(boundaries[:-1], boundaries[1:]):
        in_bin = jnp.logical_and(probs > bin_lower, probs <= bin_upper).astype(jnp.float32)
        count = in_bin.sum()
        prop_in_bin = count / n_total
        # safe denominator: when count == 0 the prop_in_bin factor is 0,
        # matching the torch `if in_bin.any()` skip exactly
        denom = jnp.maximum(count, 1.0)
        accuracy_in_bin = (accuracies * in_bin).sum() / denom
        avg_confidence_in_bin = (probs * in_bin).sum() / denom
        ece = ece + prop_in_bin * jnp.abs(avg_confidence_in_bin - accuracy_in_bin)
    return ece

if __name__ == "__main__":
    import jax
    _d = setup_inputs()
    print(jax.jit(kernel)(*tuple(_d.values())))

</pallas_src>

<mosaic_0001>
#map = affine_map<(d0, d1) -> (0)>
#map1 = affine_map<(d0, d1) -> (0, 0)>
module attributes {stable_mosaic.version = 14 : i64} {
  func.func @body(%arg0: i32, %arg1: i32, %arg2: memref<4194304xf32, #tpu.memory_space<hbm>>, %arg3: memref<4194304xi32, #tpu.memory_space<hbm>>, %arg4: memref<32x176xf32, #tpu.memory_space<hbm>>, %arg5: memref<2x16384xf32, #tpu.memory_space<vmem>>, %arg6: memref<2x16384xi32, #tpu.memory_space<vmem>>, %arg7: memref<176xf32, #tpu.memory_space<vmem>>, %arg8: memref<!tpu.dma_semaphore, #tpu.memory_space<semaphore_mem>>, %arg9: memref<!tpu.dma_semaphore, #tpu.memory_space<semaphore_mem>>, %arg10: memref<!tpu.dma_semaphore, #tpu.memory_space<semaphore_mem>>, %arg11: memref<!tpu.dma_semaphore, #tpu.memory_space<semaphore_mem>>) attributes {dimension_semantics = [#tpu.dimension_semantics<core_parallel>, #tpu.dimension_semantics<subcore_parallel>], iteration_bounds = array<i64: 2, 16>, scalar_prefetch = 0 : i64, scratch_operands = 7 : i64, tpu.core_type = #tpu.core_type<sc_vector_subcore>, window_params = [{transform_indices = #map}, {transform_indices = #map}, {transform_indices = #map1}]} {
    %mul3A = arith.constant 2 : i32
    %mul3A_0 = arith.muli %arg1, %mul3A : i32
    %add3A = arith.addi %mul3A_0, %arg0 : i32
    %mul3A_1 = arith.constant 131072 : i32
    %mul3A_2 = arith.muli %add3A, %mul3A_1 : i32
    %broadcast_in_dim3A = arith.constant 0.000000e+00 : f32
    %broadcast_in_dim3A_3 = vector.broadcast %broadcast_in_dim3A : f32 to vector<16xf32>
    %swap3A = arith.constant 0 : index
    %swap3A_4 = tpu.vector_load %arg7[%swap3A] {strides = array<i32>} : memref<176xf32, #tpu.memory_space<vmem>>, vector<16xf32>,
    tpu.vector_store %arg7[%swap3A], %broadcast_in_dim3A_3 {strides = array<i32>} : memref<176xf32, #tpu.memory_space<vmem>>, vector<16xf32>,
    %broadcast_in_dim3A_5 = arith.constant 0.000000e+00 : f32
    %broadcast_in_dim3A_6 = vector.broadcast %broadcast_in_dim3A_5 : f32 to vector<16xf32>
    %swap3A_7 = arith.constant 16 : index
    %swap3A_8 = tpu.vector_load %arg7[%swap3A_7] {strides = array<i32>} : memref<176xf32, #tpu.memory_space<vmem>>, vector<16xf32>,
    tpu.vector_store %arg7[%swap3A_7], %broadcast_in_dim3A_6 {strides = array<i32>} : memref<176xf32, #tpu.memory_space<vmem>>, vector<16xf32>,
    %broadcast_in_dim3A_9 = arith.constant 0.000000e+00 : f32
    %broadcast_in_dim3A_10 = vector.broadcast %broadcast_in_dim3A_9 : f32 to vector<16xf32>
    %swap3A_11 = arith.constant 32 : index
    %swap3A_12 = tpu.vector_load %arg7[%swap3A_11] {strides = array<i32>} : memref<176xf32, #tpu.memory_space<vmem>>, vector<16xf32>,
    tpu.vector_store %arg7[%swap3A_11], %broadcast_in_dim3A_10 {strides = array<i32>} : memref<176xf32, #tpu.memory_space<vmem>>, vector<16xf32>,
    %broadcast_in_dim3A_13 = arith.constant 0.000000e+00 : f32
    %broadcast_in_dim3A_14 = vector.broadcast %broadcast_in_dim3A_13 : f32 to vector<16xf32>
    %swap3A_15 = arith.constant 48 : index
    %swap3A_16 = tpu.vector_load %arg7[%swap3A_15] {strides = array<i32>} : memref<176xf32, #tpu.memory_space<vmem>>, vector<16xf32>,
    tpu.vector_store %arg7[%swap3A_15], %broadcast_in_dim3A_14 {strides = array<i32>} : memref<176xf32, #tpu.memory_space<vmem>>, vector<16xf32>,
    %broadcast_in_dim3A_17 = arith.constant 0.000000e+00 : f32
    %broadcast_in_dim3A_18 = vector.broadcast %broadcast_in_dim3A_17 : f32 to vector<16xf32>
    %swap3A_19 = arith.constant 64 : index
    %swap3A_20 = tpu.vector_load %arg7[%swap3A_19] {strides = array<i32>} : memref<176xf32, #tpu.memory_space<vmem>>, vector<16xf32>,
    tpu.vector_store %arg7[%swap3A_19], %broadcast_in_dim3A_18 {strides = array<i32>} : memref<176xf32, #tpu.memory_space<vmem>>, vector<16xf32>,
    %broadcast_in_dim3A_21 = arith.constant 0.000000e+00 : f32
    %broadcast_in_dim3A_22 = vector.broadcast %broadcast_in_dim3A_21 : f32 to vector<16xf32>
    %swap3A_23 = arith.constant 80 : index
    %swap3A_24 = tpu.vector_load %arg7[%swap3A_23] {strides = array<i32>} : memref<176xf32, #tpu.memory_space<vmem>>, vector<16xf32>,
    tpu.vector_store %arg7[%swap3A_23], %broadcast_in_dim3A_22 {strides = array<i32>} : memref<176xf32, #tpu.memory_space<vmem>>, vector<16xf32>,
    %broadcast_in_dim3A_25 = arith.constant 0.000000e+00 : f32
    %broadcast_in_dim3A_26 = vector.broadcast %broadcast_in_dim3A_25 : f32 to vector<16xf32>
    %swap3A_27 = arith.constant 96 : index
    %swap3A_28 = tpu.vector_load %arg7[%swap3A_27] {strides = array<i32>} : memref<176xf32, #tpu.memory_space<vmem>>, vector<16xf32>,
    tpu.vector_store %arg7[%swap3A_27], %broadcast_in_dim3A_26 {strides = array<i32>} : memref<176xf32, #tpu.memory_space<vmem>>, vector<16xf32>,
    %broadcast_in_dim3A_29 = arith.constant 0.000000e+00 : f32
    %broadcast_in_dim3A_30 = vector.broadcast %broadcast_in_dim3A_29 : f32 to vector<16xf32>
    %swap3A_31 = arith.constant 112 : index
    %swap3A_32 = tpu.vector_load %arg7[%swap3A_31] {strides = array<i32>} : memref<176xf32, #tpu.memory_space<vmem>>, vector<16xf32>,
    tpu.vector_store %arg7[%swap3A_31], %broadcast_in_dim3A_30 {strides = array<i32>} : memref<176xf32, #tpu.memory_space<vmem>>, vector<16xf32>,
    %broadcast_in_dim3A_33 = arith.constant 0.000000e+00 : f32
    %broadcast_in_dim3A_34 = vector.broadcast %broadcast_in_dim3A_33 : f32 to vector<16xf32>
    %swap3A_35 = arith.constant 128 : index
    %swap3A_36 = tpu.vector_load %arg7[%swap3A_35] {strides = array<i32>} : memref<176xf32, #tpu.memory_space<vmem>>, vector<16xf32>,
    tpu.vector_store %arg7[%swap3A_35], %broadcast_in_dim3A_34 {strides = array<i32>} : memref<176xf32, #tpu.memory_space<vmem>>, vector<16xf32>,
    %broadcast_in_dim3A_37 = arith.constant 0.000000e+00 : f32
    %broadcast_in_dim3A_38 = vector.broadcast %broadcast_in_dim3A_37 : f32 to vector<16xf32>
    %swap3A_39 = arith.constant 144 : index
    %swap3A_40 = tpu.vector_load %arg7[%swap3A_39] {strides = array<i32>} : memref<176xf32, #tpu.memory_space<vmem>>, vector<16xf32>,
    tpu.vector_store %arg7[%swap3A_39], %broadcast_in_dim3A_38 {strides = array<i32>} : memref<176xf32, #tpu.memory_space<vmem>>, vector<16xf32>,
    %broadcast_in_dim3A_41 = arith.constant 0.000000e+00 : f32
    %broadcast_in_dim3A_42 = vector.broadcast %broadcast_in_dim3A_41 : f32 to vector<16xf32>
    %swap3A_43 = arith.constant 160 : index
    %swap3A_44 = tpu.vector_load %arg7[%swap3A_43] {strides = array<i32>} : memref<176xf32, #tpu.memory_space<vmem>>, vector<16xf32>,
    tpu.vector_store %arg7[%swap3A_43], %broadcast_in_dim3A_42 {strides = array<i32>} : memref<176xf32, #tpu.memory_space<vmem>>, vector<16xf32>,
    %iota3A = tpu.iota {dimensions = array<i32: 0>} : vector<16xi32>
    %add3A_45 = arith.constant 0 : i32
    %add3A_46 = arith.addi %mul3A_2, %add3A_45 : i32
    %dma_start3A = arith.constant 0 : i32
    %dma_start3A_47 = arith.constant 0 : i32
    %dma_start3A_48 = tpu.memref_slice %arg5[%dma_start3A, %dma_start3A_47] : memref<2x16384xf32, #tpu.memory_space<vmem>> -> memref<1x16384xf32, #tpu.memory_space<vmem>>
    %dma_start3A_49 = tpu.memref_squeeze %dma_start3A_48 : memref<1x16384xf32, #tpu.memory_space<vmem>> -> memref<16384xf32, #tpu.memory_space<vmem>>
    %dma_start3A_50 = tpu.memref_slice %arg2[%add3A_46] : memref<4194304xf32, #tpu.memory_space<hbm>> -> memref<16384xf32, #tpu.memory_space<hbm>>
    %dma_start3A_51 = arith.constant 0 : i32
    %dma_start3A_52 = tpu.memref_slice %arg5[%dma_start3A, %dma_start3A_51] : memref<2x16384xf32, #tpu.memory_space<vmem>> -> memref<1x16384xf32, #tpu.memory_space<vmem>>
    %dma_start3A_53 = tpu.memref_squeeze %dma_start3A_52 : memref<1x16384xf32, #tpu.memory_space<vmem>> -> memref<16384xf32, #tpu.memory_space<vmem>>
    %dma_start3A_54 = tpu.memref_slice %arg2[%add3A_46] : memref<4194304xf32, #tpu.memory_space<hbm>> -> memref<16384xf32, #tpu.memory_space<hbm>>
    tpu.enqueue_dma source(%dma_start3A_54 : memref<16384xf32, #tpu.memory_space<hbm>>) target(%dma_start3A_53 : memref<16384xf32, #tpu.memory_space<vmem>>) target_semaphore(%arg8 : memref<!tpu.dma_semaphore, #tpu.memory_space<semaphore_mem>>)
    %dma_start3A_55 = arith.constant 0 : i32
    %dma_start3A_56 = arith.constant 0 : i32
    %dma_start3A_57 = tpu.memref_slice %arg6[%dma_start3A_55, %dma_start3A_56] : memref<2x16384xi32, #tpu.memory_space<vmem>> -> memref<1x16384xi32, #tpu.memory_space<vmem>>
    %dma_start3A_58 = tpu.memref_squeeze %dma_start3A_57 : memref<1x16384xi32, #tpu.memory_space<vmem>> -> memref<16384xi32, #tpu.memory_space<vmem>>
    %dma_start3A_59 = tpu.memref_slice %arg3[%add3A_46] : memref<4194304xi32, #tpu.memory_space<hbm>> -> memref<16384xi32, #tpu.memory_space<hbm>>
    %dma_start3A_60 = arith.constant 0 : i32
    %dma_start3A_61 = tpu.memref_slice %arg6[%dma_start3A_55, %dma_start3A_60] : memref<2x16384xi32, #tpu.memory_space<vmem>> -> memref<1x16384xi32, #tpu.memory_space<vmem>>
    %dma_start3A_62 = tpu.memref_squeeze %dma_start3A_61 : memref<1x16384xi32, #tpu.memory_space<vmem>> -> memref<16384xi32, #tpu.memory_space<vmem>>
    %dma_start3A_63 = tpu.memref_slice %arg3[%add3A_46] : memref<4194304xi32, #tpu.memory_space<hbm>> -> memref<16384xi32, #tpu.memory_space<hbm>>
    tpu.enqueue_dma source(%dma_start3A_63 : memref<16384xi32, #tpu.memory_space<hbm>>) target(%dma_start3A_62 : memref<16384xi32, #tpu.memory_space<vmem>>) target_semaphore(%arg10 : memref<!tpu.dma_semaphore, #tpu.memory_space<semaphore_mem>>)
    %scan3A = arith.constant 0 : i32
    %scan3A_64 = arith.constant 0 : i32
    %scan3A_65 = arith.constant 4 : i32
    %scan3A_66 = arith.addi %scan3A_64, %scan3A_65 : i32
    %scan3A_67 = arith.constant 1 : i32
    scf.for %scan3A_69 = %scan3A_64 to %scan3A_66 step %scan3A_67  : i32 {
      %mul3A_70 = arith.constant 2 : i32
      %mul3A_71 = arith.muli %scan3A_69, %mul3A_70 : i32
      %add3A_72 = arith.constant 0 : i32
      %add3A_73 = arith.addi %mul3A_71, %add3A_72 : i32
      %add3A_74 = arith.constant 1 : i32
      %add3A_75 = arith.addi %add3A_73, %add3A_74 : i32
      %lt3A = arith.constant 8 : i32
      %lt3A_76 = arith.cmpi slt, %add3A_75, %lt3A : i32
      %convert_element_type3A = arith.extui %lt3A_76 : i1 to i32
      %cond3A = arith.constant 0 : i32
      %cond3A_77 = arith.cmpi ne, %convert_element_type3A, %cond3A : i32
      scf.if %cond3A_77 {
        %add3A_144 = arith.constant 1 : i32
        %add3A_145 = arith.addi %add3A_73, %add3A_144 : i32
        %mul3A_146 = arith.constant 16384 : i32
        %mul3A_147 = arith.muli %add3A_145, %mul3A_146 : i32
        %add3A_148 = arith.addi %mul3A_2, %mul3A_147 : i32
        %dma_start3A_149 = arith.constant 1 : i32
        %dma_start3A_150 = arith.constant 0 : i32
        %dma_start3A_151 = tpu.memref_slice %arg5[%dma_start3A_149, %dma_start3A_150] : memref<2x16384xf32, #tpu.memory_space<vmem>> -> memref<1x16384xf32, #tpu.memory_space<vmem>>
        %dma_start3A_152 = tpu.memref_squeeze %dma_start3A_151 : memref<1x16384xf32, #tpu.memory_space<vmem>> -> memref<16384xf32, #tpu.memory_space<vmem>>
        %dma_start3A_153 = tpu.memref_slice %arg2[%add3A_148] : memref<4194304xf32, #tpu.memory_space<hbm>> -> memref<16384xf32, #tpu.memory_space<hbm>>
        %dma_start3A_154 = arith.constant 0 : i32
        %dma_start3A_155 = tpu.memref_slice %arg5[%dma_start3A_149, %dma_start3A_154] : memref<2x16384xf32, #tpu.memory_space<vmem>> -> memref<1x16384xf32, #tpu.memory_space<vmem>>
        %dma_start3A_156 = tpu.memref_squeeze %dma_start3A_155 : memref<1x16384xf32, #tpu.memory_space<vmem>> -> memref<16384xf32, #tpu.memory_space<vmem>>
        %dma_start3A_157 = tpu.memref_slice %arg2[%add3A_148] : memref<4194304xf32, #tpu.memory_space<hbm>> -> memref<16384xf32, #tpu.memory_space<hbm>>
        tpu.enqueue_dma source(%dma_start3A_157 : memref<16384xf32, #tpu.memory_space<hbm>>) target(%dma_start3A_156 : memref<16384xf32, #tpu.memory_space<vmem>>) target_semaphore(%arg9 : memref<!tpu.dma_semaphore, #tpu.memory_space<semaphore_mem>>)
        %dma_start3A_158 = arith.constant 1 : i32
        %dma_start3A_159 = arith.constant 0 : i32
        %dma_start3A_160 = tpu.memref_slice %arg6[%dma_start3A_158, %dma_start3A_159] : memref<2x16384xi32, #tpu.memory_space<vmem>> -> memref<1x16384xi32, #tpu.memory_space<vmem>>
        %dma_start3A_161 = tpu.memref_squeeze %dma_start3A_160 : memref<1x16384xi32, #tpu.memory_space<vmem>> -> memref<16384xi32, #tpu.memory_space<vmem>>
        %dma_start3A_162 = tpu.memref_slice %arg3[%add3A_148] : memref<4194304xi32, #tpu.memory_space<hbm>> -> memref<16384xi32, #tpu.memory_space<hbm>>
        %dma_start3A_163 = arith.constant 0 : i32
        %dma_start3A_164 = tpu.memref_slice %arg6[%dma_start3A_158, %dma_start3A_163] : memref<2x16384xi32, #tpu.memory_space<vmem>> -> memref<1x16384xi32, #tpu.memory_space<vmem>>
        %dma_start3A_165 = tpu.memref_squeeze %dma_start3A_164 : memref<1x16384xi32, #tpu.memory_space<vmem>> -> memref<16384xi32, #tpu.memory_space<vmem>>
        %dma_start3A_166 = tpu.memref_slice %arg3[%add3A_148] : memref<4194304xi32, #tpu.memory_space<hbm>> -> memref<16384xi32, #tpu.memory_space<hbm>>
        tpu.enqueue_dma source(%dma_start3A_166 : memref<16384xi32, #tpu.memory_space<hbm>>) target(%dma_start3A_165 : memref<16384xi32, #tpu.memory_space<vmem>>) target_semaphore(%arg11 : memref<!tpu.dma_semaphore, #tpu.memory_space<semaphore_mem>>)
      } else {
      }
      %dma_wait3A = arith.constant 0 : i32
      %dma_wait3A_78 = arith.constant 0 : i32
      %dma_wait3A_79 = tpu.memref_slice %arg5[%dma_wait3A, %dma_wait3A_78] : memref<2x16384xf32, #tpu.memory_space<vmem>> -> memref<1x16384xf32, #tpu.memory_space<vmem>>
      %dma_wait3A_80 = tpu.memref_squeeze %dma_wait3A_79 : memref<1x16384xf32, #tpu.memory_space<vmem>> -> memref<16384xf32, #tpu.memory_space<vmem>>
      %dma_wait3A_81 = arith.constant 0 : i32
      %dma_wait3A_82 = tpu.memref_slice %arg2[%dma_wait3A_81] : memref<4194304xf32, #tpu.memory_space<hbm>> -> memref<16384xf32, #tpu.memory_space<hbm>>
      %dma_wait3A_83 = arith.constant 0 : i32
      %dma_wait3A_84 = tpu.memref_slice %arg5[%dma_wait3A, %dma_wait3A_83] : memref<2x16384xf32, #tpu.memory_space<vmem>> -> memref<1x16384xf32, #tpu.memory_space<vmem>>
      %dma_wait3A_85 = tpu.memref_squeeze %dma_wait3A_84 : memref<1x16384xf32, #tpu.memory_space<vmem>> -> memref<16384xf32, #tpu.memory_space<vmem>>
      %dma_wait3A_86 = arith.constant 0 : i32
      %dma_wait3A_87 = tpu.memref_slice %arg2[%dma_wait3A_86] : memref<4194304xf32, #tpu.memory_space<hbm>> -> memref<16384xf32, #tpu.memory_space<hbm>>
      tpu.wait_dma2 semaphore(%arg8 : memref<!tpu.dma_semaphore, #tpu.memory_space<semaphore_mem>>) src(%dma_wait3A_87 : memref<16384xf32, #tpu.memory_space<hbm>>) dst(%dma_wait3A_85 : memref<16384xf32, #tpu.memory_space<vmem>>)
      %dma_wait3A_88 = arith.constant 0 : i32
      %dma_wait3A_89 = arith.constant 0 : i32
      %dma_wait3A_90 = tpu.memref_slice %arg6[%dma_wait3A_88, %dma_wait3A_89] : memref<2x16384xi32, #tpu.memory_space<vmem>> -> memref<1x16384xi32, #tpu.memory_space<vmem>>
      %dma_wait3A_91 = tpu.memref_squeeze %dma_wait3A_90 : memref<1x16384xi32, #tpu.memory_space<vmem>> -> memref<16384xi32, #tpu.memory_space<vmem>>
      %dma_wait3A_92 = arith.constant 0 : i32
      %dma_wait3A_93 = tpu.memref_slice %arg3[%dma_wait3A_92] : memref<4194304xi32, #tpu.memory_space<hbm>> -> memref<16384xi32, #tpu.memory_space<hbm>>
      %dma_wait3A_94 = arith.constant 0 : i32
      %dma_wait3A_95 = tpu.memref_slice %arg6[%dma_wait3A_88, %dma_wait3A_94] : memref<2x16384xi32, #tpu.memory_space<vmem>> -> memref<1x16384xi32, #tpu.memory_space<vmem>>
      %dma_wait3A_96 = tpu.memref_squeeze %dma_wait3A_95 : memref<1x16384xi32, #tpu.memory_space<vmem>> -> memref<16384xi32, #tpu.memory_space<vmem>>
      %dma_wait3A_97 = arith.constant 0 : i32
      %dma_wait3A_98 = tpu.memref_slice %arg3[%dma_wait3A_97] : memref<4194304xi32, #tpu.memory_space<hbm>> -> memref<16384xi32, #tpu.memory_space<hbm>>
      tpu.wait_dma2 semaphore(%arg10 : memref<!tpu.dma_semaphore, #tpu.memory_space<semaphore_mem>>) src(%dma_wait3A_98 : memref<16384xi32, #tpu.memory_space<hbm>>) dst(%dma_wait3A_96 : memref<16384xi32, #tpu.memory_space<vmem>>)
      %scan3A_99 = arith.constant 0 : i32
      %scan3A_100 = arith.constant 0 : i32
      %scan3A_101 = arith.constant 128 : i32
      %scan3A_102 = arith.addi %scan3A_100, %scan3A_101 : i32
      %scan3A_103 = arith.constant 1 : i32
      scf.for %scan3A_144 = %scan3A_100 to %scan3A_102 step %scan3A_103  : i32 {
        %mul3A_145 = arith.constant 128 : i32
        %mul3A_146 = arith.muli %scan3A_144, %mul3A_145 : i32
        %add3A_147 = arith.constant 0 : i32
        %add3A_148 = arith.addi %mul3A_146, %add3A_147 : i32
        %get3A = arith.constant 0 : i32
        %get3A_149 = arith.index_cast %get3A : i32 to index
        %get3A_150 = arith.index_cast %add3A_148 : i32 to index
        %get3A_151 = tpu.vector_load %arg5[%get3A_149, %get3A_150] {strides = array<i32>} : memref<2x16384xf32, #tpu.memory_space<vmem>>, vector<16xf32>,
        %add3A_152 = arith.constant 16 : i32
        %add3A_153 = arith.addi %mul3A_146, %add3A_152 : i32
        %get3A_154 = arith.constant 0 : i32
        %get3A_155 = arith.index_cast %get3A_154 : i32 to index
        %get3A_156 = arith.index_cast %add3A_153 : i32 to index
        %get3A_157 = tpu.vector_load %arg5[%get3A_155, %get3A_156] {strides = array<i32>} : memref<2x16384xf32, #tpu.memory_space<vmem>>, vector<16xf32>,
        %add3A_158 = arith.constant 32 : i32
        %add3A_159 = arith.addi %mul3A_146, %add3A_158 : i32
        %get3A_160 = arith.constant 0 : i32
        %get3A_161 = arith.index_cast %get3A_160 : i32 to index
        %get3A_162 = arith.index_cast %add3A_159 : i32 to index
        %get3A_163 = tpu.vector_load %arg5[%get3A_161, %get3A_162] {strides = array<i32>} : memref<2x16384xf32, #tpu.memory_space<vmem>>, vector<16xf32>,
        %add3A_164 = arith.constant 48 : i32
        %add3A_165 = arith.addi %mul3A_146, %add3A_164 : i32
        %get3A_166 = arith.constant 0 : i32
        %get3A_167 = arith.index_cast %get3A_166 : i32 to index
        %get3A_168 = arith.index_cast %add3A_165 : i32 to index
        %get3A_169 = tpu.vector_load %arg5[%get3A_167, %get3A_168] {strides = array<i32>} : memref<2x16384xf32, #tpu.memory_space<vmem>>, vector<16xf32>,
        %add3A_170 = arith.constant 64 : i32
        %add3A_171 = arith.addi %mul3A_146, %add3A_170 : i32
        %get3A_172 = arith.constant 0 : i32
        %get3A_173 = arith.index_cast %get3A_172 : i32 to index
        %get3A_174 = arith.index_cast %add3A_171 : i32 to index
        %get3A_175 = tpu.vector_load %arg5[%get3A_173, %get3A_174] {strides = array<i32>} : memref<2x16384xf32, #tpu.memory_space<vmem>>, vector<16xf32>,
        %add3A_176 = arith.constant 80 : i32
        %add3A_177 = arith.addi %mul3A_146, %add3A_176 : i32
        %get3A_178 = arith.constant 0 : i32
        %get3A_179 = arith.index_cast %get3A_178 : i32 to index
        %get3A_180 = arith.index_cast %add3A_177 : i32 to index
        %get3A_181 = tpu.vector_load %arg5[%get3A_179, %get3A_180] {strides = array<i32>} : memref<2x16384xf32, #tpu.memory_space<vmem>>, vector<16xf32>,
        %add3A_182 = arith.constant 96 : i32
        %add3A_183 = arith.addi %mul3A_146, %add3A_182 : i32
        %get3A_184 = arith.constant 0 : i32
        %get3A_185 = arith.index_cast %get3A_184 : i32 to index
        %get3A_186 = arith.index_cast %add3A_183 : i32 to index
        %get3A_187 = tpu.vector_load %arg5[%get3A_185, %get3A_186] {strides = array<i32>} : memref<2x16384xf32, #tpu.memory_space<vmem>>, vector<16xf32>,
        %add3A_188 = arith.constant 112 : i32
        %add3A_189 = arith.addi %mul3A_146, %add3A_188 : i32
        %get3A_190 = arith.constant 0 : i32
        %get3A_191 = arith.index_cast %get3A_190 : i32 to index
        %get3A_192 = arith.index_cast %add3A_189 : i32 to index
        %get3A_193 = tpu.vector_load %arg5[%get3A_191, %get3A_192] {strides = array<i32>} : memref<2x16384xf32, #tpu.memory_space<vmem>>, vector<16xf32>,
        %add3A_194 = arith.constant 0 : i32
        %add3A_195 = arith.addi %mul3A_146, %add3A_194 : i32
        %get3A_196 = arith.constant 0 : i32
        %get3A_197 = arith.index_cast %get3A_196 : i32 to index
        %get3A_198 = arith.index_cast %add3A_195 : i32 to index
        %get3A_199 = tpu.vector_load %arg6[%get3A_197, %get3A_198] {strides = array<i32>} : memref<2x16384xi32, #tpu.memory_space<vmem>>, vector<16xi32>,
        %add3A_200 = arith.constant 16 : i32
        %add3A_201 = arith.addi %mul3A_146, %add3A_200 : i32
        %get3A_202 = arith.constant 0 : i32
        %get3A_203 = arith.index_cast %get3A_202 : i32 to index
        %get3A_204 = arith.index_cast %add3A_201 : i32 to index
        %get3A_205 = tpu.vector_load %arg6[%get3A_203, %get3A_204] {strides = array<i32>} : memref<2x16384xi32, #tpu.memory_space<vmem>>, vector<16xi32>,
        %add3A_206 = arith.constant 32 : i32
        %add3A_207 = arith.addi %mul3A_146, %add3A_206 : i32
        %get3A_208 = arith.constant 0 : i32
        %get3A_209 = arith.index_cast %get3A_208 : i32 to index
        %get3A_210 = arith.index_cast %add3A_207 : i32 to index
        %get3A_211 = tpu.vector_load %arg6[%get3A_209, %get3A_210] {strides = array<i32>} : memref<2x16384xi32, #tpu.memory_space<vmem>>, vector<16xi32>,
        %add3A_212 = arith.constant 48 : i32
        %add3A_213 = arith.addi %mul3A_146, %add3A_212 : i32
        %get3A_214 = arith.constant 0 : i32
        %get3A_215 = arith.index_cast %get3A_214 : i32 to index
        %get3A_216 = arith.index_cast %add3A_213 : i32 to index
        %get3A_217 = tpu.vector_load %arg6[%get3A_215, %get3A_216] {strides = array<i32>} : memref<2x16384xi32, #tpu.memory_space<vmem>>, vector<16xi32>,
        %add3A_218 = arith.constant 64 : i32
        %add3A_219 = arith.addi %mul3A_146, %add3A_218 : i32
        %get3A_220 = arith.constant 0 : i32
        %get3A_221 = arith.index_cast %get3A_220 : i32 to index
        %get3A_222 = arith.index_cast %add3A_219 : i32 to index
        %get3A_223 = tpu.vector_load %arg6[%get3A_221, %get3A_222] {strides = array<i32>} : memref<2x16384xi32, #tpu.memory_space<vmem>>, vector<16xi32>,
        %add3A_224 = arith.constant 80 : i32
        %add3A_225 = arith.addi %mul3A_146, %add3A_224 : i32
        %get3A_226 = arith.constant 0 : i32
        %get3A_227 = arith.index_cast %get3A_226 : i32 to index
        %get3A_228 = arith.index_cast %add3A_225 : i32 to index
        %get3A_229 = tpu.vector_load %arg6[%get3A_227, %get3A_228] {strides = array<i32>} : memref<2x16384xi32, #tpu.memory_space<vmem>>, vector<16xi32>,
        %add3A_230 = arith.constant 96 : i32
        %add3A_231 = arith.addi %mul3A_146, %add3A_230 : i32
        %get3A_232 = arith.constant 0 : i32
        %get3A_233 = arith.index_cast %get3A_232 : i32 to index
        %get3A_234 = arith.index_cast %add3A_231 : i32 to index
        %get3A_235 = tpu.vector_load %arg6[%get3A_233, %get3A_234] {strides = array<i32>} : memref<2x16384xi32, #tpu.memory_space<vmem>>, vector<16xi32>,
        %add3A_236 = arith.constant 112 : i32
        %add3A_237 = arith.addi %mul3A_146, %add3A_236 : i32
        %get3A_238 = arith.constant 0 : i32
        %get3A_239 = arith.index_cast %get3A_238 : i32 to index
        %get3A_240 = arith.index_cast %add3A_237 : i32 to index
        %get3A_241 = tpu.vector_load %arg6[%get3A_239, %get3A_240] {strides = array<i32>} : memref<2x16384xi32, #tpu.memory_space<vmem>>, vector<16xi32>,
        %neg3A = arith.constant 0.000000e+00 : f32
        %neg3A_242 = vector.broadcast %neg3A : f32 to vector<16xf32>
        %neg3A_243 = arith.subf %neg3A_242, %get3A_151 : vector<16xf32>
        %exp3A = math.exp %neg3A_243 : vector<16xf32>
        %neg3A_244 = arith.constant 0.000000e+00 : f32
        %neg3A_245 = vector.broadcast %neg3A_244 : f32 to vector<16xf32>
        %neg3A_246 = arith.subf %neg3A_245, %get3A_157 : vector<16xf32>
        %exp3A_247 = math.exp %neg3A_246 : vector<16xf32>
        %neg3A_248 = arith.constant 0.000000e+00 : f32
        %neg3A_249 = vector.broadcast %neg3A_248 : f32 to vector<16xf32>
        %neg3A_250 = arith.subf %neg3A_249, %get3A_163 : vector<16xf32>
        %exp3A_251 = math.exp %neg3A_250 : vector<16xf32>
        %neg3A_252 = arith.constant 0.000000e+00 : f32
        %neg3A_253 = vector.broadcast %neg3A_252 : f32 to vector<16xf32>
        %neg3A_254 = arith.subf %neg3A_253, %get3A_169 : vector<16xf32>
        %exp3A_255 = math.exp %neg3A_254 : vector<16xf32>
        %neg3A_256 = arith.constant 0.000000e+00 : f32
        %neg3A_257 = vector.broadcast %neg3A_256 : f32 to vector<16xf32>
        %neg3A_258 = arith.subf %neg3A_257, %get3A_175 : vector<16xf32>
        %exp3A_259 = math.exp %neg3A_258 : vector<16xf32>
        %neg3A_260 = arith.constant 0.000000e+00 : f32
        %neg3A_261 = vector.broadcast %neg3A_260 : f32 to vector<16xf32>
        %neg3A_262 = arith.subf %neg3A_261, %get3A_181 : vector<16xf32>
        %exp3A_263 = math.exp %neg3A_262 : vector<16xf32>
        %neg3A_264 = arith.constant 0.000000e+00 : f32
        %neg3A_265 = vector.broadcast %neg3A_264 : f32 to vector<16xf32>
        %neg3A_266 = arith.subf %neg3A_265, %get3A_187 : vector<16xf32>
        %exp3A_267 = math.exp %neg3A_266 : vector<16xf32>
        %neg3A_268 = arith.constant 0.000000e+00 : f32
        %neg3A_269 = vector.broadcast %neg3A_268 : f32 to vector<16xf32>
        %neg3A_270 = arith.subf %neg3A_269, %get3A_193 : vector<16xf32>
        %exp3A_271 = math.exp %neg3A_270 : vector<16xf32>
        %add3A_272 = arith.constant 1.000000e+00 : f32
        %add3A_273 = vector.broadcast %add3A_272 : f32 to vector<16xf32>
        %add3A_274 = arith.addf %add3A_273, %exp3A : vector<16xf32>
        %div3A = arith.constant 1.000000e+00 : f32
        %div3A_275 = vector.broadcast %div3A : f32 to vector<16xf32>
        %div3A_276 = arith.divf %div3A_275, %add3A_274 : vector<16xf32>
        %add3A_277 = arith.constant 1.000000e+00 : f32
        %add3A_278 = vector.broadcast %add3A_277 : f32 to vector<16xf32>
        %add3A_279 = arith.addf %add3A_278, %exp3A_247 : vector<16xf32>
        %div3A_280 = arith.constant 1.000000e+00 : f32
        %div3A_281 = vector.broadcast %div3A_280 : f32 to vector<16xf32>
        %div3A_282 = arith.divf %div3A_281, %add3A_279 : vector<16xf32>
        %add3A_283 = arith.constant 1.000000e+00 : f32
        %add3A_284 = vector.broadcast %add3A_283 : f32 to vector<16xf32>
        %add3A_285 = arith.addf %add3A_284, %exp3A_251 : vector<16xf32>
        %div3A_286 = arith.constant 1.000000e+00 : f32
        %div3A_287 = vector.broadcast %div3A_286 : f32 to vector<16xf32>
        %div3A_288 = arith.divf %div3A_287, %add3A_285 : vector<16xf32>
        %add3A_289 = arith.constant 1.000000e+00 : f32
        %add3A_290 = vector.broadcast %add3A_289 : f32 to vector<16xf32>
        %add3A_291 = arith.addf %add3A_290, %exp3A_255 : vector<16xf32>
        %div3A_292 = arith.constant 1.000000e+00 : f32
        %div3A_293 = vector.broadcast %div3A_292 : f32 to vector<16xf32>
        %div3A_294 = arith.divf %div3A_293, %add3A_291 : vector<16xf32>
        %add3A_295 = arith.constant 1.000000e+00 : f32
        %add3A_296 = vector.broadcast %add3A_295 : f32 to vector<16xf32>
        %add3A_297 = arith.addf %add3A_296, %exp3A_259 : vector<16xf32>
        %div3A_298 = arith.constant 1.000000e+00 : f32
        %div3A_299 = vector.broadcast %div3A_298 : f32 to vector<16xf32>
        %div3A_300 = arith.divf %div3A_299, %add3A_297 : vector<16xf32>
        %add3A_301 = arith.constant 1.000000e+00 : f32
        %add3A_302 = vector.broadcast %add3A_301 : f32 to vector<16xf32>
        %add3A_303 = arith.addf %add3A_302, %exp3A_263 : vector<16xf32>
        %div3A_304 = arith.constant 1.000000e+00 : f32
        %div3A_305 = vector.broadcast %div3A_304 : f32 to vector<16xf32>
        %div3A_306 = arith.divf %div3A_305, %add3A_303 : vector<16xf32>
        %add3A_307 = arith.constant 1.000000e+00 : f32
        %add3A_308 = vector.broadcast %add3A_307 : f32 to vector<16xf32>
        %add3A_309 = arith.addf %add3A_308, %exp3A_267 : vector<16xf32>
        %div3A_310 = arith.constant 1.000000e+00 : f32
        %div3A_311 = vector.broadcast %div3A_310 : f32 to vector<16xf32>
        %div3A_312 = arith.divf %div3A_311, %add3A_309 : vector<16xf32>
        %add3A_313 = arith.constant 1.000000e+00 : f32
        %add3A_314 = vector.broadcast %add3A_313 : f32 to vector<16xf32>
        %add3A_315 = arith.addf %add3A_314, %exp3A_271 : vector<16xf32>
        %div3A_316 = arith.constant 1.000000e+00 : f32
        %div3A_317 = vector.broadcast %div3A_316 : f32 to vector<16xf32>
        %div3A_318 = arith.divf %div3A_317, %add3A_315 : vector<16xf32>
        %mul3A_319 = arith.constant 1.000000e+01 : f32
        %mul3A_320 = vector.broadcast %mul3A_319 : f32 to vector<16xf32>
        %mul3A_321 = arith.mulf %div3A_276, %mul3A_320 : vector<16xf32>
        %convert_element_type3A_322 = arith.fptosi %mul3A_321 : vector<16xf32> to vector<16xi32>
        %convert_element_type3A_323 = arith.sitofp %get3A_199 : vector<16xi32> to vector<16xf32>
        %gt3A = arith.constant 0.000000e+00 : f32
        %gt3A_324 = vector.broadcast %gt3A : f32 to vector<16xf32>
        %gt3A_325 = arith.cmpf ogt, %get3A_151, %gt3A_324 : vector<16xf32>
        %sub3A = arith.constant 1.000000e+00 : f32
        %sub3A_326 = vector.broadcast %sub3A : f32 to vector<16xf32>
        %sub3A_327 = arith.subf %sub3A_326, %convert_element_type3A_323 : vector<16xf32>
        %select_n3A = arith.select %gt3A_325, %convert_element_type3A_323, %sub3A_327 : vector<16xi1>, vector<16xf32>
        %mul3A_328 = arith.constant 16 : i32
        %mul3A_329 = vector.broadcast %mul3A_328 : i32 to vector<16xi32>
        %mul3A_330 = arith.muli %convert_element_type3A_322, %mul3A_329 : vector<16xi32>
        %add3A_331 = arith.addi %mul3A_330, %iota3A : vector<16xi32>
        %sub3A_332 = arith.subf %div3A_276, %select_n3A : vector<16xf32>
        tpu.vector_store_idx %arg7[%add3A_331], %sub3A_332 {add = true} : memref<176xf32, #tpu.memory_space<vmem>>[vector<16xi32>], vector<16xf32>,
        %mul3A_333 = arith.constant 1.000000e+01 : f32
        %mul3A_334 = vector.broadcast %mul3A_333 : f32 to vector<16xf32>
        %mul3A_335 = arith.mulf %div3A_282, %mul3A_334 : vector<16xf32>
        %convert_element_type3A_336 = arith.fptosi %mul3A_335 : vector<16xf32> to vector<16xi32>
        %convert_element_type3A_337 = arith.sitofp %get3A_205 : vector<16xi32> to vector<16xf32>
        %gt3A_338 = arith.constant 0.000000e+00 : f32
        %gt3A_339 = vector.broadcast %gt3A_338 : f32 to vector<16xf32>
        %gt3A_340 = arith.cmpf ogt, %get3A_157, %gt3A_339 : vector<16xf32>
        %sub3A_341 = arith.constant 1.000000e+00 : f32
        %sub3A_342 = vector.broadcast %sub3A_341 : f32 to vector<16xf32>
        %sub3A_343 = arith.subf %sub3A_342, %convert_element_type3A_337 : vector<16xf32>
        %select_n3A_344 = arith.select %gt3A_340, %convert_element_type3A_337, %sub3A_343 : vector<16xi1>, vector<16xf32>
        %mul3A_345 = arith.constant 16 : i32
        %mul3A_346 = vector.broadcast %mul3A_345 : i32 to vector<16xi32>
        %mul3A_347 = arith.muli %convert_element_type3A_336, %mul3A_346 : vector<16xi32>
        %add3A_348 = arith.addi %mul3A_347, %iota3A : vector<16xi32>
        %sub3A_349 = arith.subf %div3A_282, %select_n3A_344 : vector<16xf32>
        tpu.vector_store_idx %arg7[%add3A_348], %sub3A_349 {add = true} : memref<176xf32, #tpu.memory_space<vmem>>[vector<16xi32>], vector<16xf32>,
        %mul3A_350 = arith.constant 1.000000e+01 : f32
        %mul3A_351 = vector.broadcast %mul3A_350 : f32 to vector<16xf32>
        %mul3A_352 = arith.mulf %div3A_288, %mul3A_351 : vector<16xf32>
        %convert_element_type3A_353 = arith.fptosi %mul3A_352 : vector<16xf32> to vector<16xi32>
        %convert_element_type3A_354 = arith.sitofp %get3A_211 : vector<16xi32> to vector<16xf32>
        %gt3A_355 = arith.constant 0.000000e+00 : f32
        %gt3A_356 = vector.broadcast %gt3A_355 : f32 to vector<16xf32>
        %gt3A_357 = arith.cmpf ogt, %get3A_163, %gt3A_356 : vector<16xf32>
        %sub3A_358 = arith.constant 1.000000e+00 : f32
        %sub3A_359 = vector.broadcast %sub3A_358 : f32 to vector<16xf32>
        %sub3A_360 = arith.subf %sub3A_359, %convert_element_type3A_354 : vector<16xf32>
        %select_n3A_361 = arith.select %gt3A_357, %convert_element_type3A_354, %sub3A_360 : vector<16xi1>, vector<16xf32>
        %mul3A_362 = arith.constant 16 : i32
        %mul3A_363 = vector.broadcast %mul3A_362 : i32 to vector<16xi32>
        %mul3A_364 = arith.muli %convert_element_type3A_353, %mul3A_363 : vector<16xi32>
        %add3A_365 = arith.addi %mul3A_364, %iota3A : vector<16xi32>
        %sub3A_366 = arith.subf %div3A_288, %select_n3A_361 : vector<16xf32>
        tpu.vector_store_idx %arg7[%add3A_365], %sub3A_366 {add = true} : memref<176xf32, #tpu.memory_space<vmem>>[vector<16xi32>], vector<16xf32>,
        %mul3A_367 = arith.constant 1.000000e+01 : f32
        %mul3A_368 = vector.broadcast %mul3A_367 : f32 to vector<16xf32>
        %mul3A_369 = arith.mulf %div3A_294, %mul3A_368 : vector<16xf32>
        %convert_element_type3A_370 = arith.fptosi %mul3A_369 : vector<16xf32> to vector<16xi32>
        %convert_element_type3A_371 = arith.sitofp %get3A_217 : vector<16xi32> to vector<16xf32>
        %gt3A_372 = arith.constant 0.000000e+00 : f32
        %gt3A_373 = vector.broadcast %gt3A_372 : f32 to vector<16xf32>
        %gt3A_374 = arith.cmpf ogt, %get3A_169, %gt3A_373 : vector<16xf32>
        %sub3A_375 = arith.constant 1.000000e+00 : f32
        %sub3A_376 = vector.broadcast %sub3A_375 : f32 to vector<16xf32>
        %sub3A_377 = arith.subf %sub3A_376, %convert_element_type3A_371 : vector<16xf32>
        %select_n3A_378 = arith.select %gt3A_374, %convert_element_type3A_371, %sub3A_377 : vector<16xi1>, vector<16xf32>
        %mul3A_379 = arith.constant 16 : i32
        %mul3A_380 = vector.broadcast %mul3A_379 : i32 to vector<16xi32>
        %mul3A_381 = arith.muli %convert_element_type3A_370, %mul3A_380 : vector<16xi32>
        %add3A_382 = arith.addi %mul3A_381, %iota3A : vector<16xi32>
        %sub3A_383 = arith.subf %div3A_294, %select_n3A_378 : vector<16xf32>
        tpu.vector_store_idx %arg7[%add3A_382], %sub3A_383 {add = true} : memref<176xf32, #tpu.memory_space<vmem>>[vector<16xi32>], vector<16xf32>,
        %mul3A_384 = arith.constant 1.000000e+01 : f32
        %mul3A_385 = vector.broadcast %mul3A_384 : f32 to vector<16xf32>
        %mul3A_386 = arith.mulf %div3A_300, %mul3A_385 : vector<16xf32>
        %convert_element_type3A_387 = arith.fptosi %mul3A_386 : vector<16xf32> to vector<16xi32>
        %convert_element_type3A_388 = arith.sitofp %get3A_223 : vector<16xi32> to vector<16xf32>
        %gt3A_389 = arith.constant 0.000000e+00 : f32
        %gt3A_390 = vector.broadcast %gt3A_389 : f32 to vector<16xf32>
        %gt3A_391 = arith.cmpf ogt, %get3A_175, %gt3A_390 : vector<16xf32>
        %sub3A_392 = arith.constant 1.000000e+00 : f32
        %sub3A_393 = vector.broadcast %sub3A_392 : f32 to vector<16xf32>
        %sub3A_394 = arith.subf %sub3A_393, %convert_element_type3A_388 : vector<16xf32>
        %select_n3A_395 = arith.select %gt3A_391, %convert_element_type3A_388, %sub3A_394 : vector<16xi1>, vector<16xf32>
        %mul3A_396 = arith.constant 16 : i32
        %mul3A_397 = vector.broadcast %mul3A_396 : i32 to vector<16xi32>
        %mul3A_398 = arith.muli %convert_element_type3A_387, %mul3A_397 : vector<16xi32>
        %add3A_399 = arith.addi %mul3A_398, %iota3A : vector<16xi32>
        %sub3A_400 = arith.subf %div3A_300, %select_n3A_395 : vector<16xf32>
        tpu.vector_store_idx %arg7[%add3A_399], %sub3A_400 {add = true} : memref<176xf32, #tpu.memory_space<vmem>>[vector<16xi32>], vector<16xf32>,
        %mul3A_401 = arith.constant 1.000000e+01 : f32
        %mul3A_402 = vector.broadcast %mul3A_401 : f32 to vector<16xf32>
        %mul3A_403 = arith.mulf %div3A_306, %mul3A_402 : vector<16xf32>
        %convert_element_type3A_404 = arith.fptosi %mul3A_403 : vector<16xf32> to vector<16xi32>
        %convert_element_type3A_405 = arith.sitofp %get3A_229 : vector<16xi32> to vector<16xf32>
        %gt3A_406 = arith.constant 0.000000e+00 : f32
        %gt3A_407 = vector.broadcast %gt3A_406 : f32 to vector<16xf32>
        %gt3A_408 = arith.cmpf ogt, %get3A_181, %gt3A_407 : vector<16xf32>
        %sub3A_409 = arith.constant 1.000000e+00 : f32
        %sub3A_410 = vector.broadcast %sub3A_409 : f32 to vector<16xf32>
        %sub3A_411 = arith.subf %sub3A_410, %convert_element_type3A_405 : vector<16xf32>
        %select_n3A_412 = arith.select %gt3A_408, %convert_element_type3A_405, %sub3A_411 : vector<16xi1>, vector<16xf32>
        %mul3A_413 = arith.constant 16 : i32
        %mul3A_414 = vector.broadcast %mul3A_413 : i32 to vector<16xi32>
        %mul3A_415 = arith.muli %convert_element_type3A_404, %mul3A_414 : vector<16xi32>
        %add3A_416 = arith.addi %mul3A_415, %iota3A : vector<16xi32>
        %sub3A_417 = arith.subf %div3A_306, %select_n3A_412 : vector<16xf32>
        tpu.vector_store_idx %arg7[%add3A_416], %sub3A_417 {add = true} : memref<176xf32, #tpu.memory_space<vmem>>[vector<16xi32>], vector<16xf32>,
        %mul3A_418 = arith.constant 1.000000e+01 : f32
        %mul3A_419 = vector.broadcast %mul3A_418 : f32 to vector<16xf32>
        %mul3A_420 = arith.mulf %div3A_312, %mul3A_419 : vector<16xf32>
        %convert_element_type3A_421 = arith.fptosi %mul3A_420 : vector<16xf32> to vector<16xi32>
        %convert_element_type3A_422 = arith.sitofp %get3A_235 : vector<16xi32> to vector<16xf32>
        %gt3A_423 = arith.constant 0.000000e+00 : f32
        %gt3A_424 = vector.broadcast %gt3A_423 : f32 to vector<16xf32>
        %gt3A_425 = arith.cmpf ogt, %get3A_187, %gt3A_424 : vector<16xf32>
        %sub3A_426 = arith.constant 1.000000e+00 : f32
        %sub3A_427 = vector.broadcast %sub3A_426 : f32 to vector<16xf32>
        %sub3A_428 = arith.subf %sub3A_427, %convert_element_type3A_422 : vector<16xf32>
        %select_n3A_429 = arith.select %gt3A_425, %convert_element_type3A_422, %sub3A_428 : vector<16xi1>, vector<16xf32>
        %mul3A_430 = arith.constant 16 : i32
        %mul3A_431 = vector.broadcast %mul3A_430 : i32 to vector<16xi32>
        %mul3A_432 = arith.muli %convert_element_type3A_421, %mul3A_431 : vector<16xi32>
        %add3A_433 = arith.addi %mul3A_432, %iota3A : vector<16xi32>
        %sub3A_434 = arith.subf %div3A_312, %select_n3A_429 : vector<16xf32>
        tpu.vector_store_idx %arg7[%add3A_433], %sub3A_434 {add = true} : memref<176xf32, #tpu.memory_space<vmem>>[vector<16xi32>], vector<16xf32>,
        %mul3A_435 = arith.constant 1.000000e+01 : f32
        %mul3A_436 = vector.broadcast %mul3A_435 : f32 to vector<16xf32>
        %mul3A_437 = arith.mulf %div3A_318, %mul3A_436 : vector<16xf32>
        %convert_element_type3A_438 = arith.fptosi %mul3A_437 : vector<16xf32> to vector<16xi32>
        %convert_element_type3A_439 = arith.sitofp %get3A_241 : vector<16xi32> to vector<16xf32>
        %gt3A_440 = arith.constant 0.000000e+00 : f32
        %gt3A_441 = vector.broadcast %gt3A_440 : f32 to vector<16xf32>
        %gt3A_442 = arith.cmpf ogt, %get3A_193, %gt3A_441 : vector<16xf32>
        %sub3A_443 = arith.constant 1.000000e+00 : f32
        %sub3A_444 = vector.broadcast %sub3A_443 : f32 to vector<16xf32>
        %sub3A_445 = arith.subf %sub3A_444, %convert_element_type3A_439 : vector<16xf32>
        %select_n3A_446 = arith.select %gt3A_442, %convert_element_type3A_439, %sub3A_445 : vector<16xi1>, vector<16xf32>
        %mul3A_447 = arith.constant 16 : i32
        %mul3A_448 = vector.broadcast %mul3A_447 : i32 to vector<16xi32>
        %mul3A_449 = arith.muli %convert_element_type3A_438, %mul3A_448 : vector<16xi32>
        %add3A_450 = arith.addi %mul3A_449, %iota3A : vector<16xi32>
        %sub3A_451 = arith.subf %div3A_318, %select_n3A_446 : vector<16xf32>
        tpu.vector_store_idx %arg7[%add3A_450], %sub3A_451 {add = true} : memref<176xf32, #tpu.memory_space<vmem>>[vector<16xi32>], vector<16xf32>,
      }
      %scan3A_104 = arith.constant 128 : i32
      %mul3A_105 = arith.constant 2 : i32
      %mul3A_106 = arith.muli %scan3A_69, %mul3A_105 : i32
      %add3A_107 = arith.constant 1 : i32
      %add3A_108 = arith.addi %mul3A_106, %add3A_107 : i32
      %add3A_109 = arith.constant 1 : i32
      %add3A_110 = arith.addi %add3A_108, %add3A_109 : i32
      %lt3A_111 = arith.constant 8 : i32
      %lt3A_112 = arith.cmpi slt, %add3A_110, %lt3A_111 : i32
      %convert_element_type3A_113 = arith.extui %lt3A_112 : i1 to i32
      %cond3A_114 = arith.constant 0 : i32
      %cond3A_115 = arith.cmpi ne, %convert_element_type3A_113, %cond3A_114 : i32
      scf.if %cond3A_115 {
        %add3A_144 = arith.constant 1 : i32
        %add3A_145 = arith.addi %add3A_108, %add3A_144 : i32
        %mul3A_146 = arith.constant 16384 : i32
        %mul3A_147 = arith.muli %add3A_145, %mul3A_146 : i32
        %add3A_148 = arith.addi %mul3A_2, %mul3A_147 : i32
        %dma_start3A_149 = arith.constant 0 : i32
        %dma_start3A_150 = arith.constant 0 : i32
        %dma_start3A_151 = tpu.memref_slice %arg5[%dma_start3A_149, %dma_start3A_150] : memref<2x16384xf32, #tpu.memory_space<vmem>> -> memref<1x16384xf32, #tpu.memory_space<vmem>>
        %dma_start3A_152 = tpu.memref_squeeze %dma_start3A_151 : memref<1x16384xf32, #tpu.memory_space<vmem>> -> memref<16384xf32, #tpu.memory_space<vmem>>
        %dma_start3A_153 = tpu.memref_slice %arg2[%add3A_148] : memref<4194304xf32, #tpu.memory_space<hbm>> -> memref<16384xf32, #tpu.memory_space<hbm>>
        %dma_start3A_154 = arith.constant 0 : i32
        %dma_start3A_155 = tpu.memref_slice %arg5[%dma_start3A_149, %dma_start3A_154] : memref<2x16384xf32, #tpu.memory_space<vmem>> -> memref<1x16384xf32, #tpu.memory_space<vmem>>
        %dma_start3A_156 = tpu.memref_squeeze %dma_start3A_155 : memref<1x16384xf32, #tpu.memory_space<vmem>> -> memref<16384xf32, #tpu.memory_space<vmem>>
        %dma_start3A_157 = tpu.memref_slice %arg2[%add3A_148] : memref<4194304xf32, #tpu.memory_space<hbm>> -> memref<16384xf32, #tpu.memory_space<hbm>>
        tpu.enqueue_dma source(%dma_start3A_157 : memref<16384xf32, #tpu.memory_space<hbm>>) target(%dma_start3A_156 : memref<16384xf32, #tpu.memory_space<vmem>>) target_semaphore(%arg8 : memref<!tpu.dma_semaphore, #tpu.memory_space<semaphore_mem>>)
        %dma_start3A_158 = arith.constant 0 : i32
        %dma_start3A_159 = arith.constant 0 : i32
        %dma_start3A_160 = tpu.memref_slice %arg6[%dma_start3A_158, %dma_start3A_159] : memref<2x16384xi32, #tpu.memory_space<vmem>> -> memref<1x16384xi32, #tpu.memory_space<vmem>>
        %dma_start3A_161 = tpu.memref_squeeze %dma_start3A_160 : memref<1x16384xi32, #tpu.memory_space<vmem>> -> memref<16384xi32, #tpu.memory_space<vmem>>
        %dma_start3A_162 = tpu.memref_slice %arg3[%add3A_148] : memref<4194304xi32, #tpu.memory_space<hbm>> -> memref<16384xi32, #tpu.memory_space<hbm>>
        %dma_start3A_163 = arith.constant 0 : i32
        %dma_start3A_164 = tpu.memref_slice %arg6[%dma_start3A_158, %dma_start3A_163] : memref<2x16384xi32, #tpu.memory_space<vmem>> -> memref<1x16384xi32, #tpu.memory_space<vmem>>
        %dma_start3A_165 = tpu.memref_squeeze %dma_start3A_164 : memref<1x16384xi32, #tpu.memory_space<vmem>> -> memref<16384xi32, #tpu.memory_space<vmem>>
        %dma_start3A_166 = tpu.memref_slice %arg3[%add3A_148] : memref<4194304xi32, #tpu.memory_space<hbm>> -> memref<16384xi32, #tpu.memory_space<hbm>>
        tpu.enqueue_dma source(%dma_start3A_166 : memref<16384xi32, #tpu.memory_space<hbm>>) target(%dma_start3A_165 : memref<16384xi32, #tpu.memory_space<vmem>>) target_semaphore(%arg10 : memref<!tpu.dma_semaphore, #tpu.memory_space<semaphore_mem>>)
      } else {
      }
      %dma_wait3A_116 = arith.constant 1 : i32
      %dma_wait3A_117 = arith.constant 0 : i32
      %dma_wait3A_118 = tpu.memref_slice %arg5[%dma_wait3A_116, %dma_wait3A_117] : memref<2x16384xf32, #tpu.memory_space<vmem>> -> memref<1x16384xf32, #tpu.memory_space<vmem>>
      %dma_wait3A_119 = tpu.memref_squeeze %dma_wait3A_118 : memref<1x16384xf32, #tpu.memory_space<vmem>> -> memref<16384xf32, #tpu.memory_space<vmem>>
      %dma_wait3A_120 = arith.constant 0 : i32
      %dma_wait3A_121 = tpu.memref_slice %arg2[%dma_wait3A_120] : memref<4194304xf32, #tpu.memory_space<hbm>> -> memref<16384xf32, #tpu.memory_space<hbm>>
      %dma_wait3A_122 = arith.constant 0 : i32
      %dma_wait3A_123 = tpu.memref_slice %arg5[%dma_wait3A_116, %dma_wait3A_122] : memref<2x16384xf32, #tpu.memory_space<vmem>> -> memref<1x16384xf32, #tpu.memory_space<vmem>>
      %dma_wait3A_124 = tpu.memref_squeeze %dma_wait3A_123 : memref<1x16384xf32, #tpu.memory_space<vmem>> -> memref<16384xf32, #tpu.memory_space<vmem>>
      %dma_wait3A_125 = arith.constant 0 : i32
      %dma_wait3A_126 = tpu.memref_slice %arg2[%dma_wait3A_125] : memref<4194304xf32, #tpu.memory_space<hbm>> -> memref<16384xf32, #tpu.memory_space<hbm>>
      tpu.wait_dma2 semaphore(%arg9 : memref<!tpu.dma_semaphore, #tpu.memory_space<semaphore_mem>>) src(%dma_wait3A_126 : memref<16384xf32, #tpu.memory_space<hbm>>) dst(%dma_wait3A_124 : memref<16384xf32, #tpu.memory_space<vmem>>)
      %dma_wait3A_127 = arith.constant 1 : i32
      %dma_wait3A_128 = arith.constant 0 : i32
      %dma_wait3A_129 = tpu.memref_slice %arg6[%dma_wait3A_127, %dma_wait3A_128] : memref<2x16384xi32, #tpu.memory_space<vmem>> -> memref<1x16384xi32, #tpu.memory_space<vmem>>
      %dma_wait3A_130 = tpu.memref_squeeze %dma_wait3A_129 : memref<1x16384xi32, #tpu.memory_space<vmem>> -> memref<16384xi32, #tpu.memory_space<vmem>>
      %dma_wait3A_131 = arith.constant 0 : i32
      %dma_wait3A_132 = tpu.memref_slice %arg3[%dma_wait3A_131] : memref<4194304xi32, #tpu.memory_space<hbm>> -> memref<16384xi32, #tpu.memory_space<hbm>>
      %dma_wait3A_133 = arith.constant 0 : i32
      %dma_wait3A_134 = tpu.memref_slice %arg6[%dma_wait3A_127, %dma_wait3A_133] : memref<2x16384xi32, #tpu.memory_space<vmem>> -> memref<1x16384xi32, #tpu.memory_space<vmem>>
      %dma_wait3A_135 = tpu.memref_squeeze %dma_wait3A_134 : memref<1x16384xi32, #tpu.memory_space<vmem>> -> memref<16384xi32, #tpu.memory_space<vmem>>
      %dma_wait3A_136 = arith.constant 0 : i32
      %dma_wait3A_137 = tpu.memref_slice %arg3[%dma_wait3A_136] : memref<4194304xi32, #tpu.memory_space<hbm>> -> memref<16384xi32, #tpu.memory_space<hbm>>
      tpu.wait_dma2 semaphore(%arg11 : memref<!tpu.dma_semaphore, #tpu.memory_space<semaphore_mem>>) src(%dma_wait3A_137 : memref<16384xi32, #tpu.memory_space<hbm>>) dst(%dma_wait3A_135 : memref<16384xi32, #tpu.memory_space<vmem>>)
      %scan3A_138 = arith.constant 0 : i32
      %scan3A_139 = arith.constant 0 : i32
      %scan3A_140 = arith.constant 128 : i32
      %scan3A_141 = arith.addi %scan3A_139, %scan3A_140 : i32
      %scan3A_142 = arith.constant 1 : i32
      scf.for %scan3A_144 = %scan3A_139 to %scan3A_141 step %scan3A_142  : i32 {
        %mul3A_145 = arith.constant 128 : i32
        %mul3A_146 = arith.muli %scan3A_144, %mul3A_145 : i32
        %add3A_147 = arith.constant 0 : i32
        %add3A_148 = arith.addi %mul3A_146, %add3A_147 : i32
        %get3A = arith.constant 1 : i32
        %get3A_149 = arith.index_cast %get3A : i32 to index
        %get3A_150 = arith.index_cast %add3A_148 : i32 to index
        %get3A_151 = tpu.vector_load %arg5[%get3A_149, %get3A_150] {strides = array<i32>} : memref<2x16384xf32, #tpu.memory_space<vmem>>, vector<16xf32>,
        %add3A_152 = arith.constant 16 : i32
        %add3A_153 = arith.addi %mul3A_146, %add3A_152 : i32
        %get3A_154 = arith.constant 1 : i32
        %get3A_155 = arith.index_cast %get3A_154 : i32 to index
        %get3A_156 = arith.index_cast %add3A_153 : i32 to index
        %get3A_157 = tpu.vector_load %arg5[%get3A_155, %get3A_156] {strides = array<i32>} : memref<2x16384xf32, #tpu.memory_space<vmem>>, vector<16xf32>,
        %add3A_158 = arith.constant 32 : i32
        %add3A_159 = arith.addi %mul3A_146, %add3A_158 : i32
        %get3A_160 = arith.constant 1 : i32
        %get3A_161 = arith.index_cast %get3A_160 : i32 to index
        %get3A_162 = arith.index_cast %add3A_159 : i32 to index
        %get3A_163 = tpu.vector_load %arg5[%get3A_161, %get3A_162] {strides = array<i32>} : memref<2x16384xf32, #tpu.memory_space<vmem>>, vector<16xf32>,
        %add3A_164 = arith.constant 48 : i32
        %add3A_165 = arith.addi %mul3A_146, %add3A_164 : i32
        %get3A_166 = arith.constant 1 : i32
        %get3A_167 = arith.index_cast %get3A_166 : i32 to index
        %get3A_168 = arith.index_cast %add3A_165 : i32 to index
        %get3A_169 = tpu.vector_load %arg5[%get3A_167, %get3A_168] {strides = array<i32>} : memref<2x16384xf32, #tpu.memory_space<vmem>>, vector<16xf32>,
        %add3A_170 = arith.constant 64 : i32
        %add3A_171 = arith.addi %mul3A_146, %add3A_170 : i32
        %get3A_172 = arith.constant 1 : i32
        %get3A_173 = arith.index_cast %get3A_172 : i32 to index
        %get3A_174 = arith.index_cast %add3A_171 : i32 to index
        %get3A_175 = tpu.vector_load %arg5[%get3A_173, %get3A_174] {strides = array<i32>} : memref<2x16384xf32, #tpu.memory_space<vmem>>, vector<16xf32>,
        %add3A_176 = arith.constant 80 : i32
        %add3A_177 = arith.addi %mul3A_146, %add3A_176 : i32
        %get3A_178 = arith.constant 1 : i32
        %get3A_179 = arith.index_cast %get3A_178 : i32 to index
        %get3A_180 = arith.index_cast %add3A_177 : i32 to index
        %get3A_181 = tpu.vector_load %arg5[%get3A_179, %get3A_180] {strides = array<i32>} : memref<2x16384xf32, #tpu.memory_space<vmem>>, vector<16xf32>,
        %add3A_182 = arith.constant 96 : i32
        %add3A_183 = arith.addi %mul3A_146, %add3A_182 : i32
        %get3A_184 = arith.constant 1 : i32
        %get3A_185 = arith.index_cast %get3A_184 : i32 to index
        %get3A_186 = arith.index_cast %add3A_183 : i32 to index
        %get3A_187 = tpu.vector_load %arg5[%get3A_185, %get3A_186] {strides = array<i32>} : memref<2x16384xf32, #tpu.memory_space<vmem>>, vector<16xf32>,
        %add3A_188 = arith.constant 112 : i32
        %add3A_189 = arith.addi %mul3A_146, %add3A_188 : i32
        %get3A_190 = arith.constant 1 : i32
        %get3A_191 = arith.index_cast %get3A_190 : i32 to index
        %get3A_192 = arith.index_cast %add3A_189 : i32 to index
        %get3A_193 = tpu.vector_load %arg5[%get3A_191, %get3A_192] {strides = array<i32>} : memref<2x16384xf32, #tpu.memory_space<vmem>>, vector<16xf32>,
        %add3A_194 = arith.constant 0 : i32
        %add3A_195 = arith.addi %mul3A_146, %add3A_194 : i32
        %get3A_196 = arith.constant 1 : i32
        %get3A_197 = arith.index_cast %get3A_196 : i32 to index
        %get3A_198 = arith.index_cast %add3A_195 : i32 to index
        %get3A_199 = tpu.vector_load %arg6[%get3A_197, %get3A_198] {strides = array<i32>} : memref<2x16384xi32, #tpu.memory_space<vmem>>, vector<16xi32>,
        %add3A_200 = arith.constant 16 : i32
        %add3A_201 = arith.addi %mul3A_146, %add3A_200 : i32
        %get3A_202 = arith.constant 1 : i32
        %get3A_203 = arith.index_cast %get3A_202 : i32 to index
        %get3A_204 = arith.index_cast %add3A_201 : i32 to index
        %get3A_205 = tpu.vector_load %arg6[%get3A_203, %get3A_204] {strides = array<i32>} : memref<2x16384xi32, #tpu.memory_space<vmem>>, vector<16xi32>,
        %add3A_206 = arith.constant 32 : i32
        %add3A_207 = arith.addi %mul3A_146, %add3A_206 : i32
        %get3A_208 = arith.constant 1 : i32
        %get3A_209 = arith.index_cast %get3A_208 : i32 to index
        %get3A_210 = arith.index_cast %add3A_207 : i32 to index
        %get3A_211 = tpu.vector_load %arg6[%get3A_209, %get3A_210] {strides = array<i32>} : memref<2x16384xi32, #tpu.memory_space<vmem>>, vector<16xi32>,
        %add3A_212 = arith.constant 48 : i32
        %add3A_213 = arith.addi %mul3A_146, %add3A_212 : i32
        %get3A_214 = arith.constant 1 : i32
        %get3A_215 = arith.index_cast %get3A_214 : i32 to index
        %get3A_216 = arith.index_cast %add3A_213 : i32 to index
        %get3A_217 = tpu.vector_load %arg6[%get3A_215, %get3A_216] {strides = array<i32>} : memref<2x16384xi32, #tpu.memory_space<vmem>>, vector<16xi32>,
        %add3A_218 = arith.constant 64 : i32
        %add3A_219 = arith.addi %mul3A_146, %add3A_218 : i32
        %get3A_220 = arith.constant 1 : i32
        %get3A_221 = arith.index_cast %get3A_220 : i32 to index
        %get3A_222 = arith.index_cast %add3A_219 : i32 to index
        %get3A_223 = tpu.vector_load %arg6[%get3A_221, %get3A_222] {strides = array<i32>} : memref<2x16384xi32, #tpu.memory_space<vmem>>, vector<16xi32>,
        %add3A_224 = arith.constant 80 : i32
        %add3A_225 = arith.addi %mul3A_146, %add3A_224 : i32
        %get3A_226 = arith.constant 1 : i32
        %get3A_227 = arith.index_cast %get3A_226 : i32 to index
        %get3A_228 = arith.index_cast %add3A_225 : i32 to index
        %get3A_229 = tpu.vector_load %arg6[%get3A_227, %get3A_228] {strides = array<i32>} : memref<2x16384xi32, #tpu.memory_space<vmem>>, vector<16xi32>,
        %add3A_230 = arith.constant 96 : i32
        %add3A_231 = arith.addi %mul3A_146, %add3A_230 : i32
        %get3A_232 = arith.constant 1 : i32
        %get3A_233 = arith.index_cast %get3A_232 : i32 to index
        %get3A_234 = arith.index_cast %add3A_231 : i32 to index
        %get3A_235 = tpu.vector_load %arg6[%get3A_233, %get3A_234] {strides = array<i32>} : memref<2x16384xi32, #tpu.memory_space<vmem>>, vector<16xi32>,
        %add3A_236 = arith.constant 112 : i32
        %add3A_237 = arith.addi %mul3A_146, %add3A_236 : i32
        %get3A_238 = arith.constant 1 : i32
        %get3A_239 = arith.index_cast %get3A_238 : i32 to index
        %get3A_240 = arith.index_cast %add3A_237 : i32 to index
        %get3A_241 = tpu.vector_load %arg6[%get3A_239, %get3A_240] {strides = array<i32>} : memref<2x16384xi32, #tpu.memory_space<vmem>>, vector<16xi32>,
        %neg3A = arith.constant 0.000000e+00 : f32
        %neg3A_242 = vector.broadcast %neg3A : f32 to vector<16xf32>
        %neg3A_243 = arith.subf %neg3A_242, %get3A_151 : vector<16xf32>
        %exp3A = math.exp %neg3A_243 : vector<16xf32>
        %neg3A_244 = arith.constant 0.000000e+00 : f32
        %neg3A_245 = vector.broadcast %neg3A_244 : f32 to vector<16xf32>
        %neg3A_246 = arith.subf %neg3A_245, %get3A_157 : vector<16xf32>
        %exp3A_247 = math.exp %neg3A_246 : vector<16xf32>
        %neg3A_248 = arith.constant 0.000000e+00 : f32
        %neg3A_249 = vector.broadcast %neg3A_248 : f32 to vector<16xf32>
        %neg3A_250 = arith.subf %neg3A_249, %get3A_163 : vector<16xf32>
        %exp3A_251 = math.exp %neg3A_250 : vector<16xf32>
        %neg3A_252 = arith.constant 0.000000e+00 : f32
        %neg3A_253 = vector.broadcast %neg3A_252 : f32 to vector<16xf32>
        %neg3A_254 = arith.subf %neg3A_253, %get3A_169 : vector<16xf32>
        %exp3A_255 = math.exp %neg3A_254 : vector<16xf32>
        %neg3A_256 = arith.constant 0.000000e+00 : f32
        %neg3A_257 = vector.broadcast %neg3A_256 : f32 to vector<16xf32>
        %neg3A_258 = arith.subf %neg3A_257, %get3A_175 : vector<16xf32>
        %exp3A_259 = math.exp %neg3A_258 : vector<16xf32>
        %neg3A_260 = arith.constant 0.000000e+00 : f32
        %neg3A_261 = vector.broadcast %neg3A_260 : f32 to vector<16xf32>
        %neg3A_262 = arith.subf %neg3A_261, %get3A_181 : vector<16xf32>
        %exp3A_263 = math.exp %neg3A_262 : vector<16xf32>
        %neg3A_264 = arith.constant 0.000000e+00 : f32
        %neg3A_265 = vector.broadcast %neg3A_264 : f32 to vector<16xf32>
        %neg3A_266 = arith.subf %neg3A_265, %get3A_187 : vector<16xf32>
        %exp3A_267 = math.exp %neg3A_266 : vector<16xf32>
        %neg3A_268 = arith.constant 0.000000e+00 : f32
        %neg3A_269 = vector.broadcast %neg3A_268 : f32 to vector<16xf32>
        %neg3A_270 = arith.subf %neg3A_269, %get3A_193 : vector<16xf32>
        %exp3A_271 = math.exp %neg3A_270 : vector<16xf32>
        %add3A_272 = arith.constant 1.000000e+00 : f32
        %add3A_273 = vector.broadcast %add3A_272 : f32 to vector<16xf32>
        %add3A_274 = arith.addf %add3A_273, %exp3A : vector<16xf32>
        %div3A = arith.constant 1.000000e+00 : f32
        %div3A_275 = vector.broadcast %div3A : f32 to vector<16xf32>
        %div3A_276 = arith.divf %div3A_275, %add3A_274 : vector<16xf32>
        %add3A_277 = arith.constant 1.000000e+00 : f32
        %add3A_278 = vector.broadcast %add3A_277 : f32 to vector<16xf32>
        %add3A_279 = arith.addf %add3A_278, %exp3A_247 : vector<16xf32>
        %div3A_280 = arith.constant 1.000000e+00 : f32
        %div3A_281 = vector.broadcast %div3A_280 : f32 to vector<16xf32>
        %div3A_282 = arith.divf %div3A_281, %add3A_279 : vector<16xf32>
        %add3A_283 = arith.constant 1.000000e+00 : f32
        %add3A_284 = vector.broadcast %add3A_283 : f32 to vector<16xf32>
        %add3A_285 = arith.addf %add3A_284, %exp3A_251 : vector<16xf32>
        %div3A_286 = arith.constant 1.000000e+00 : f32
        %div3A_287 = vector.broadcast %div3A_286 : f32 to vector<16xf32>
        %div3A_288 = arith.divf %div3A_287, %add3A_285 : vector<16xf32>
        %add3A_289 = arith.constant 1.000000e+00 : f32
        %add3A_290 = vector.broadcast %add3A_289 : f32 to vector<16xf32>
        %add3A_291 = arith.addf %add3A_290, %exp3A_255 : vector<16xf32>
        %div3A_292 = arith.constant 1.000000e+00 : f32
        %div3A_293 = vector.broadcast %div3A_292 : f32 to vector<16xf32>
        %div3A_294 = arith.divf %div3A_293, %add3A_291 : vector<16xf32>
        %add3A_295 = arith.constant 1.000000e+00 : f32
        %add3A_296 = vector.broadcast %add3A_295 : f32 to vector<16xf32>
        %add3A_297 = arith.addf %add3A_296, %exp3A_259 : vector<16xf32>
        %div3A_298 = arith.constant 1.000000e+00 : f32
        %div3A_299 = vector.broadcast %div3A_298 : f32 to vector<16xf32>
        %div3A_300 = arith.divf %div3A_299, %add3A_297 : vector<16xf32>
        %add3A_301 = arith.constant 1.000000e+00 : f32
        %add3A_302 = vector.broadcast %add3A_301 : f32 to vector<16xf32>
        %add3A_303 = arith.addf %add3A_302, %exp3A_263 : vector<16xf32>
        %div3A_304 = arith.constant 1.000000e+00 : f32
        %div3A_305 = vector.broadcast %div3A_304 : f32 to vector<16xf32>
        %div3A_306 = arith.divf %div3A_305, %add3A_303 : vector<16xf32>
        %add3A_307 = arith.constant 1.000000e+00 : f32
        %add3A_308 = vector.broadcast %add3A_307 : f32 to vector<16xf32>
        %add3A_309 = arith.addf %add3A_308, %exp3A_267 : vector<16xf32>
        %div3A_310 = arith.constant 1.000000e+00 : f32
        %div3A_311 = vector.broadcast %div3A_310 : f32 to vector<16xf32>
        %div3A_312 = arith.divf %div3A_311, %add3A_309 : vector<16xf32>
        %add3A_313 = arith.constant 1.000000e+00 : f32
        %add3A_314 = vector.broadcast %add3A_313 : f32 to vector<16xf32>
        %add3A_315 = arith.addf %add3A_314, %exp3A_271 : vector<16xf32>
        %div3A_316 = arith.constant 1.000000e+00 : f32
        %div3A_317 = vector.broadcast %div3A_316 : f32 to vector<16xf32>
        %div3A_318 = arith.divf %div3A_317, %add3A_315 : vector<16xf32>
        %mul3A_319 = arith.constant 1.000000e+01 : f32
        %mul3A_320 = vector.broadcast %mul3A_319 : f32 to vector<16xf32>
        %mul3A_321 = arith.mulf %div3A_276, %mul3A_320 : vector<16xf32>
        %convert_element_type3A_322 = arith.fptosi %mul3A_321 : vector<16xf32> to vector<16xi32>
        %convert_element_type3A_323 = arith.sitofp %get3A_199 : vector<16xi32> to vector<16xf32>
        %gt3A = arith.constant 0.000000e+00 : f32
        %gt3A_324 = vector.broadcast %gt3A : f32 to vector<16xf32>
        %gt3A_325 = arith.cmpf ogt, %get3A_151, %gt3A_324 : vector<16xf32>
        %sub3A = arith.constant 1.000000e+00 : f32
        %sub3A_326 = vector.broadcast %sub3A : f32 to vector<16xf32>
        %sub3A_327 = arith.subf %sub3A_326, %convert_element_type3A_323 : vector<16xf32>
        %select_n3A = arith.select %gt3A_325, %convert_element_type3A_323, %sub3A_327 : vector<16xi1>, vector<16xf32>
        %mul3A_328 = arith.constant 16 : i32
        %mul3A_329 = vector.broadcast %mul3A_328 : i32 to vector<16xi32>
        %mul3A_330 = arith.muli %convert_element_type3A_322, %mul3A_329 : vector<16xi32>
        %add3A_331 = arith.addi %mul3A_330, %iota3A : vector<16xi32>
        %sub3A_332 = arith.subf %div3A_276, %select_n3A : vector<16xf32>
        tpu.vector_store_idx %arg7[%add3A_331], %sub3A_332 {add = true} : memref<176xf32, #tpu.memory_space<vmem>>[vector<16xi32>], vector<16xf32>,
        %mul3A_333 = arith.constant 1.000000e+01 : f32
        %mul3A_334 = vector.broadcast %mul3A_333 : f32 to vector<16xf32>
        %mul3A_335 = arith.mulf %div3A_282, %mul3A_334 : vector<16xf32>
        %convert_element_type3A_336 = arith.fptosi %mul3A_335 : vector<16xf32> to vector<16xi32>
        %convert_element_type3A_337 = arith.sitofp %get3A_205 : vector<16xi32> to vector<16xf32>
        %gt3A_338 = arith.constant 0.000000e+00 : f32
        %gt3A_339 = vector.broadcast %gt3A_338 : f32 to vector<16xf32>
        %gt3A_340 = arith.cmpf ogt, %get3A_157, %gt3A_339 : vector<16xf32>
        %sub3A_341 = arith.constant 1.000000e+00 : f32
        %sub3A_342 = vector.broadcast %sub3A_341 : f32 to vector<16xf32>
        %sub3A_343 = arith.subf %sub3A_342, %convert_element_type3A_337 : vector<16xf32>
        %select_n3A_344 = arith.select %gt3A_340, %convert_element_type3A_337, %sub3A_343 : vector<16xi1>, vector<16xf32>
        %mul3A_345 = arith.constant 16 : i32
        %mul3A_346 = vector.broadcast %mul3A_345 : i32 to vector<16xi32>
        %mul3A_347 = arith.muli %convert_element_type3A_336, %mul3A_346 : vector<16xi32>
        %add3A_348 = arith.addi %mul3A_347, %iota3A : vector<16xi32>
        %sub3A_349 = arith.subf %div3A_282, %select_n3A_344 : vector<16xf32>
        tpu.vector_store_idx %arg7[%add3A_348], %sub3A_349 {add = true} : memref<176xf32, #tpu.memory_space<vmem>>[vector<16xi32>], vector<16xf32>,
        %mul3A_350 = arith.constant 1.000000e+01 : f32
        %mul3A_351 = vector.broadcast %mul3A_350 : f32 to vector<16xf32>
        %mul3A_352 = arith.mulf %div3A_288, %mul3A_351 : vector<16xf32>
        %convert_element_type3A_353 = arith.fptosi %mul3A_352 : vector<16xf32> to vector<16xi32>
        %convert_element_type3A_354 = arith.sitofp %get3A_211 : vector<16xi32> to vector<16xf32>
        %gt3A_355 = arith.constant 0.000000e+00 : f32
        %gt3A_356 = vector.broadcast %gt3A_355 : f32 to vector<16xf32>
        %gt3A_357 = arith.cmpf ogt, %get3A_163, %gt3A_356 : vector<16xf32>
        %sub3A_358 = arith.constant 1.000000e+00 : f32
        %sub3A_359 = vector.broadcast %sub3A_358 : f32 to vector<16xf32>
        %sub3A_360 = arith.subf %sub3A_359, %convert_element_type3A_354 : vector<16xf32>
        %select_n3A_361 = arith.select %gt3A_357, %convert_element_type3A_354, %sub3A_360 : vector<16xi1>, vector<16xf32>
        %mul3A_362 = arith.constant 16 : i32
        %mul3A_363 = vector.broadcast %mul3A_362 : i32 to vector<16xi32>
        %mul3A_364 = arith.muli %convert_element_type3A_353, %mul3A_363 : vector<16xi32>
        %add3A_365 = arith.addi %mul3A_364, %iota3A : vector<16xi32>
        %sub3A_366 = arith.subf %div3A_288, %select_n3A_361 : vector<16xf32>
        tpu.vector_store_idx %arg7[%add3A_365], %sub3A_366 {add = true} : memref<176xf32, #tpu.memory_space<vmem>>[vector<16xi32>], vector<16xf32>,
        %mul3A_367 = arith.constant 1.000000e+01 : f32
        %mul3A_368 = vector.broadcast %mul3A_367 : f32 to vector<16xf32>
        %mul3A_369 = arith.mulf %div3A_294, %mul3A_368 : vector<16xf32>
        %convert_element_type3A_370 = arith.fptosi %mul3A_369 : vector<16xf32> to vector<16xi32>
        %convert_element_type3A_371 = arith.sitofp %get3A_217 : vector<16xi32> to vector<16xf32>
        %gt3A_372 = arith.constant 0.000000e+00 : f32
        %gt3A_373 = vector.broadcast %gt3A_372 : f32 to vector<16xf32>
        %gt3A_374 = arith.cmpf ogt, %get3A_169, %gt3A_373 : vector<16xf32>
        %sub3A_375 = arith.constant 1.000000e+00 : f32
        %sub3A_376 = vector.broadcast %sub3A_375 : f32 to vector<16xf32>
        %sub3A_377 = arith.subf %sub3A_376, %convert_element_type3A_371 : vector<16xf32>
        %select_n3A_378 = arith.select %gt3A_374, %convert_element_type3A_371, %sub3A_377 : vector<16xi1>, vector<16xf32>
        %mul3A_379 = arith.constant 16 : i32
        %mul3A_380 = vector.broadcast %mul3A_379 : i32 to vector<16xi32>
        %mul3A_381 = arith.muli %convert_element_type3A_370, %mul3A_380 : vector<16xi32>
        %add3A_382 = arith.addi %mul3A_381, %iota3A : vector<16xi32>
        %sub3A_383 = arith.subf %div3A_294, %select_n3A_378 : vector<16xf32>
        tpu.vector_store_idx %arg7[%add3A_382], %sub3A_383 {add = true} : memref<176xf32, #tpu.memory_space<vmem>>[vector<16xi32>], vector<16xf32>,
        %mul3A_384 = arith.constant 1.000000e+01 : f32
        %mul3A_385 = vector.broadcast %mul3A_384 : f32 to vector<16xf32>
        %mul3A_386 = arith.mulf %div3A_300, %mul3A_385 : vector<16xf32>
        %convert_element_type3A_387 = arith.fptosi %mul3A_386 : vector<16xf32> to vector<16xi32>
        %convert_element_type3A_388 = arith.sitofp %get3A_223 : vector<16xi32> to vector<16xf32>
        %gt3A_389 = arith.constant 0.000000e+00 : f32
        %gt3A_390 = vector.broadcast %gt3A_389 : f32 to vector<16xf32>
        %gt3A_391 = arith.cmpf ogt, %get3A_175, %gt3A_390 : vector<16xf32>
        %sub3A_392 = arith.constant 1.000000e+00 : f32
        %sub3A_393 = vector.broadcast %sub3A_392 : f32 to vector<16xf32>
        %sub3A_394 = arith.subf %sub3A_393, %convert_element_type3A_388 : vector<16xf32>
        %select_n3A_395 = arith.select %gt3A_391, %convert_element_type3A_388, %sub3A_394 : vector<16xi1>, vector<16xf32>
        %mul3A_396 = arith.constant 16 : i32
        %mul3A_397 = vector.broadcast %mul3A_396 : i32 to vector<16xi32>
        %mul3A_398 = arith.muli %convert_element_type3A_387, %mul3A_397 : vector<16xi32>
        %add3A_399 = arith.addi %mul3A_398, %iota3A : vector<16xi32>
        %sub3A_400 = arith.subf %div3A_300, %select_n3A_395 : vector<16xf32>
        tpu.vector_store_idx %arg7[%add3A_399], %sub3A_400 {add = true} : memref<176xf32, #tpu.memory_space<vmem>>[vector<16xi32>], vector<16xf32>,
        %mul3A_401 = arith.constant 1.000000e+01 : f32
        %mul3A_402 = vector.broadcast %mul3A_401 : f32 to vector<16xf32>
        %mul3A_403 = arith.mulf %div3A_306, %mul3A_402 : vector<16xf32>
        %convert_element_type3A_404 = arith.fptosi %mul3A_403 : vector<16xf32> to vector<16xi32>
        %convert_element_type3A_405 = arith.sitofp %get3A_229 : vector<16xi32> to vector<16xf32>
        %gt3A_406 = arith.constant 0.000000e+00 : f32
        %gt3A_407 = vector.broadcast %gt3A_406 : f32 to vector<16xf32>
        %gt3A_408 = arith.cmpf ogt, %get3A_181, %gt3A_407 : vector<16xf32>
        %sub3A_409 = arith.constant 1.000000e+00 : f32
        %sub3A_410 = vector.broadcast %sub3A_409 : f32 to vector<16xf32>
        %sub3A_411 = arith.subf %sub3A_410, %convert_element_type3A_405 : vector<16xf32>
        %select_n3A_412 = arith.select %gt3A_408, %convert_element_type3A_405, %sub3A_411 : vector<16xi1>, vector<16xf32>
        %mul3A_413 = arith.constant 16 : i32
        %mul3A_414 = vector.broadcast %mul3A_413 : i32 to vector<16xi32>
        %mul3A_415 = arith.muli %convert_element_type3A_404, %mul3A_414 : vector<16xi32>
        %add3A_416 = arith.addi %mul3A_415, %iota3A : vector<16xi32>
        %sub3A_417 = arith.subf %div3A_306, %select_n3A_412 : vector<16xf32>
        tpu.vector_store_idx %arg7[%add3A_416], %sub3A_417 {add = true} : memref<176xf32, #tpu.memory_space<vmem>>[vector<16xi32>], vector<16xf32>,
        %mul3A_418 = arith.constant 1.000000e+01 : f32
        %mul3A_419 = vector.broadcast %mul3A_418 : f32 to vector<16xf32>
        %mul3A_420 = arith.mulf %div3A_312, %mul3A_419 : vector<16xf32>
        %convert_element_type3A_421 = arith.fptosi %mul3A_420 : vector<16xf32> to vector<16xi32>
        %convert_element_type3A_422 = arith.sitofp %get3A_235 : vector<16xi32> to vector<16xf32>
        %gt3A_423 = arith.constant 0.000000e+00 : f32
        %gt3A_424 = vector.broadcast %gt3A_423 : f32 to vector<16xf32>
        %gt3A_425 = arith.cmpf ogt, %get3A_187, %gt3A_424 : vector<16xf32>
        %sub3A_426 = arith.constant 1.000000e+00 : f32
        %sub3A_427 = vector.broadcast %sub3A_426 : f32 to vector<16xf32>
        %sub3A_428 = arith.subf %sub3A_427, %convert_element_type3A_422 : vector<16xf32>
        %select_n3A_429 = arith.select %gt3A_425, %convert_element_type3A_422, %sub3A_428 : vector<16xi1>, vector<16xf32>
        %mul3A_430 = arith.constant 16 : i32
        %mul3A_431 = vector.broadcast %mul3A_430 : i32 to vector<16xi32>
        %mul3A_432 = arith.muli %convert_element_type3A_421, %mul3A_431 : vector<16xi32>
        %add3A_433 = arith.addi %mul3A_432, %iota3A : vector<16xi32>
        %sub3A_434 = arith.subf %div3A_312, %select_n3A_429 : vector<16xf32>
        tpu.vector_store_idx %arg7[%add3A_433], %sub3A_434 {add = true} : memref<176xf32, #tpu.memory_space<vmem>>[vector<16xi32>], vector<16xf32>,
        %mul3A_435 = arith.constant 1.000000e+01 : f32
        %mul3A_436 = vector.broadcast %mul3A_435 : f32 to vector<16xf32>
        %mul3A_437 = arith.mulf %div3A_318, %mul3A_436 : vector<16xf32>
        %convert_element_type3A_438 = arith.fptosi %mul3A_437 : vector<16xf32> to vector<16xi32>
        %convert_element_type3A_439 = arith.sitofp %get3A_241 : vector<16xi32> to vector<16xf32>
        %gt3A_440 = arith.constant 0.000000e+00 : f32
        %gt3A_441 = vector.broadcast %gt3A_440 : f32 to vector<16xf32>
        %gt3A_442 = arith.cmpf ogt, %get3A_193, %gt3A_441 : vector<16xf32>
        %sub3A_443 = arith.constant 1.000000e+00 : f32
        %sub3A_444 = vector.broadcast %sub3A_443 : f32 to vector<16xf32>
        %sub3A_445 = arith.subf %sub3A_444, %convert_element_type3A_439 : vector<16xf32>
        %select_n3A_446 = arith.select %gt3A_442, %convert_element_type3A_439, %sub3A_445 : vector<16xi1>, vector<16xf32>
        %mul3A_447 = arith.constant 16 : i32
        %mul3A_448 = vector.broadcast %mul3A_447 : i32 to vector<16xi32>
        %mul3A_449 = arith.muli %convert_element_type3A_438, %mul3A_448 : vector<16xi32>
        %add3A_450 = arith.addi %mul3A_449, %iota3A : vector<16xi32>
        %sub3A_451 = arith.subf %div3A_318, %select_n3A_446 : vector<16xf32>
        tpu.vector_store_idx %arg7[%add3A_450], %sub3A_451 {add = true} : memref<176xf32, #tpu.memory_space<vmem>>[vector<16xi32>], vector<16xf32>,
      }
      %scan3A_143 = arith.constant 128 : i32
    }
    %scan3A_68 = arith.constant 4 : i32
    "tpu.region"() ({
      %run_scoped3A = tpu.sem_alloc : memref<!tpu.dma_semaphore, #tpu.memory_space<semaphore_mem>>
      %dma_start3A_69 = arith.constant 0 : i32
      %dma_start3A_70 = tpu.memref_slice %arg4[%add3A, %dma_start3A_69] : memref<32x176xf32, #tpu.memory_space<hbm>> -> memref<1x176xf32, #tpu.memory_space<hbm>>
      %dma_start3A_71 = tpu.memref_squeeze %dma_start3A_70 : memref<1x176xf32, #tpu.memory_space<hbm>> -> memref<176xf32, #tpu.memory_space<hbm>>
      %dma_start3A_72 = arith.constant 0 : i32
      %dma_start3A_73 = tpu.memref_slice %arg4[%add3A, %dma_start3A_72] : memref<32x176xf32, #tpu.memory_space<hbm>> -> memref<1x176xf32, #tpu.memory_space<hbm>>
      %dma_start3A_74 = tpu.memref_squeeze %dma_start3A_73 : memref<1x176xf32, #tpu.memory_space<hbm>> -> memref<176xf32, #tpu.memory_space<hbm>>
      tpu.enqueue_dma source(%arg7 : memref<176xf32, #tpu.memory_space<vmem>>) target(%dma_start3A_74 : memref<176xf32, #tpu.memory_space<hbm>>) target_semaphore(%run_scoped3A : memref<!tpu.dma_semaphore, #tpu.memory_space<semaphore_mem>>)
      %dma_wait3A = arith.constant 0 : i32
      %dma_wait3A_75 = tpu.memref_slice %arg4[%add3A, %dma_wait3A] : memref<32x176xf32, #tpu.memory_space<hbm>> -> memref<1x176xf32, #tpu.memory_space<hbm>>
      %dma_wait3A_76 = tpu.memref_squeeze %dma_wait3A_75 : memref<1x176xf32, #tpu.memory_space<hbm>> -> memref<176xf32, #tpu.memory_space<hbm>>
      %dma_wait3A_77 = arith.constant 0 : i32
      %dma_wait3A_78 = tpu.memref_slice %arg4[%add3A, %dma_wait3A_77] : memref<32x176xf32, #tpu.memory_space<hbm>> -> memref<1x176xf32, #tpu.memory_space<hbm>>
      %dma_wait3A_79 = tpu.memref_squeeze %dma_wait3A_78 : memref<1x176xf32, #tpu.memory_space<hbm>> -> memref<176xf32, #tpu.memory_space<hbm>>
      tpu.wait_dma2 semaphore(%run_scoped3A : memref<!tpu.dma_semaphore, #tpu.memory_space<semaphore_mem>>) src(%arg7 : memref<176xf32, #tpu.memory_space<vmem>>) dst(%dma_wait3A_79 : memref<176xf32, #tpu.memory_space<hbm>>)
      tpu.yield
    }) : () -> ()
    return
  }
}

module attributes {stable_mosaic.version = 14 : i64} {
  func.func @_combine(%arg0: memref<32x176xf32, #tpu.memory_space<vmem>>, %arg1: memref<1x1xf32, #tpu.memory_space<vmem>>) attributes {dimension_semantics = [], scalar_prefetch = 0 : i64, scratch_operands = 0 : i64, tpu.core_type = #tpu.core_type<tc>} {
    %get3A = arith.constant 0 : index
    %get3A_0 = arith.constant 0 : index
    %get3A_1 = vector.load %arg0[%get3A, %get3A_0] : memref<32x176xf32, #tpu.memory_space<vmem>>, vector<32x176xf32>
    %reduce_sum3A = arith.constant dense<0.000000e+00> : vector<176xf32>
    %reduce_sum3A_2 = vector.multi_reduction <add>, %get3A_1, %reduce_sum3A [0] : vector<32x176xf32> to vector<176xf32>
    %broadcast_in_dim3A = vector.shape_cast %reduce_sum3A_2 : vector<176xf32> to vector<1x176xf32>
    %iota3A = tpu.iota {dimensions = array<i32: 1>} : vector<1x176xi32>
    %jit3A = arith.constant 16 : i32
    %div3A = vector.broadcast %jit3A : i32 to vector<1x176xi32>
    %div3A_3 = arith.divsi %iota3A, %div3A : vector<1x176xi32>
    %sign3A = arith.constant 0 : i32
    %sign3A_4 = vector.broadcast %sign3A : i32 to vector<1x176xi32>
    %sign3A_5 = arith.cmpi sgt, %iota3A, %sign3A_4 : vector<1x176xi32>
    %sign3A_6 = arith.extui %sign3A_5 : vector<1x176xi1> to vector<1x176xi32>
    %sign3A_7 = arith.constant 0 : i32
    %sign3A_8 = vector.broadcast %sign3A_7 : i32 to vector<1x176xi32>
    %sign3A_9 = arith.cmpi slt, %iota3A, %sign3A_8 : vector<1x176xi32>
    %sign3A_10 = arith.extui %sign3A_9 : vector<1x176xi1> to vector<1x176xi32>
    %sign3A_11 = arith.subi %sign3A_6, %sign3A_10 : vector<1x176xi32>
    %sign3A_12 = arith.constant 0 : i32
    %sign3A_13 = arith.cmpi sgt, %jit3A, %sign3A_12 : i32
    %sign3A_14 = arith.extui %sign3A_13 : i1 to i32
    %sign3A_15 = arith.constant 0 : i32
    %sign3A_16 = arith.cmpi slt, %jit3A, %sign3A_15 : i32
    %sign3A_17 = arith.extui %sign3A_16 : i1 to i32
    %sign3A_18 = arith.subi %sign3A_14, %sign3A_17 : i32
    %ne3A = vector.broadcast %sign3A_18 : i32 to vector<1x176xi32>
    %ne3A_19 = arith.cmpi ne, %sign3A_11, %ne3A : vector<1x176xi32>
    %rem3A = vector.broadcast %jit3A : i32 to vector<1x176xi32>
    %rem3A_20 = arith.remsi %iota3A, %rem3A : vector<1x176xi32>
    %ne3A_21 = arith.constant 0 : i32
    %ne3A_22 = vector.broadcast %ne3A_21 : i32 to vector<1x176xi32>
    %ne3A_23 = arith.cmpi ne, %rem3A_20, %ne3A_22 : vector<1x176xi32>
    %and3A = arith.andi %ne3A_19, %ne3A_23 : vector<1x176xi1>
    %sub3A = arith.constant 1 : i32
    %sub3A_24 = vector.broadcast %sub3A : i32 to vector<1x176xi32>
    %sub3A_25 = arith.subi %div3A_3, %sub3A_24 : vector<1x176xi32>
    %select_n3A = arith.select %and3A, %sub3A_25, %div3A_3 : vector<1x176xi1>, vector<1x176xi32>
    %eq3A = arith.constant 0 : i32
    %eq3A_26 = vector.broadcast %eq3A : i32 to vector<1x176xi32>
    %eq3A_27 = arith.cmpi eq, %select_n3A, %eq3A_26 : vector<1x176xi32>
    %jit3A_28 = arith.constant 0.000000e+00 : f32
    %broadcast_in_dim3A_29 = vector.broadcast %jit3A_28 : f32 to vector<1x176xf32>
    %select_n3A_30 = arith.select %eq3A_27, %broadcast_in_dim3A, %broadcast_in_dim3A_29 : vector<1x176xi1>, vector<1x176xf32>
    %reduce_sum3A_31 = vector.shape_cast %select_n3A_30 : vector<1x176xf32> to vector<1x1x176xf32>
    %reduce_sum3A_32 = arith.constant dense<0.000000e+00> : vector<1xf32>
    %reduce_sum3A_33 = vector.multi_reduction <add>, %reduce_sum3A_31, %reduce_sum3A_32 [1, 2] : vector<1x1x176xf32> to vector<1xf32>
    %reduce_sum3A_34 = vector.shape_cast %reduce_sum3A_33 : vector<1xf32> to vector<1x1x1xf32>
    %reduce_sum3A_35 = vector.extract %reduce_sum3A_34[0, 0, 0] : f32 from vector<1x1x1xf32>
    %eq3A_36 = arith.constant 1 : i32
    %eq3A_37 = vector.broadcast %eq3A_36 : i32 to vector<1x176xi32>
    %eq3A_38 = arith.cmpi eq, %select_n3A, %eq3A_37 : vector<1x176xi32>
    %jit3A_39 = arith.constant 0.000000e+00 : f32
    %broadcast_in_dim3A_40 = vector.broadcast %jit3A_39 : f32 to vector<1x176xf32>
    %select_n3A_41 = arith.select %eq3A_38, %broadcast_in_dim3A, %broadcast_in_dim3A_40 : vector<1x176xi1>, vector<1x176xf32>
    %reduce_sum3A_42 = vector.shape_cast %select_n3A_41 : vector<1x176xf32> to vector<1x1x176xf32>
    %reduce_sum3A_43 = arith.constant dense<0.000000e+00> : vector<1xf32>
    %reduce_sum3A_44 = vector.multi_reduction <add>, %reduce_sum3A_42, %reduce_sum3A_43 [1, 2] : vector<1x1x176xf32> to vector<1xf32>
    %reduce_sum3A_45 = vector.shape_cast %reduce_sum3A_44 : vector<1xf32> to vector<1x1x1xf32>
    %reduce_sum3A_46 = vector.extract %reduce_sum3A_45[0, 0, 0] : f32 from vector<1x1x1xf32>
    %eq3A_47 = arith.constant 2 : i32
    %eq3A_48 = vector.broadcast %eq3A_47 : i32 to vector<1x176xi32>
    %eq3A_49 = arith.cmpi eq, %select_n3A, %eq3A_48 : vector<1x176xi32>
    %jit3A_50 = arith.constant 0.000000e+00 : f32
    %broadcast_in_dim3A_51 = vector.broadcast %jit3A_50 : f32 to vector<1x176xf32>
    %select_n3A_52 = arith.select %eq3A_49, %broadcast_in_dim3A, %broadcast_in_dim3A_51 : vector<1x176xi1>, vector<1x176xf32>
    %reduce_sum3A_53 = vector.shape_cast %select_n3A_52 : vector<1x176xf32> to vector<1x1x176xf32>
    %reduce_sum3A_54 = arith.constant dense<0.000000e+00> : vector<1xf32>
    %reduce_sum3A_55 = vector.multi_reduction <add>, %reduce_sum3A_53, %reduce_sum3A_54 [1, 2] : vector<1x1x176xf32> to vector<1xf32>
    %reduce_sum3A_56 = vector.shape_cast %reduce_sum3A_55 : vector<1xf32> to vector<1x1x1xf32>
    %reduce_sum3A_57 = vector.extract %reduce_sum3A_56[0, 0, 0] : f32 from vector<1x1x1xf32>
    %eq3A_58 = arith.constant 3 : i32
    %eq3A_59 = vector.broadcast %eq3A_58 : i32 to vector<1x176xi32>
    %eq3A_60 = arith.cmpi eq, %select_n3A, %eq3A_59 : vector<1x176xi32>
    %jit3A_61 = arith.constant 0.000000e+00 : f32
    %broadcast_in_dim3A_62 = vector.broadcast %jit3A_61 : f32 to vector<1x176xf32>
    %select_n3A_63 = arith.select %eq3A_60, %broadcast_in_dim3A, %broadcast_in_dim3A_62 : vector<1x176xi1>, vector<1x176xf32>
    %reduce_sum3A_64 = vector.shape_cast %select_n3A_63 : vector<1x176xf32> to vector<1x1x176xf32>
    %reduce_sum3A_65 = arith.constant dense<0.000000e+00> : vector<1xf32>
    %reduce_sum3A_66 = vector.multi_reduction <add>, %reduce_sum3A_64, %reduce_sum3A_65 [1, 2] : vector<1x1x176xf32> to vector<1xf32>
    %reduce_sum3A_67 = vector.shape_cast %reduce_sum3A_66 : vector<1xf32> to vector<1x1x1xf32>
    %reduce_sum3A_68 = vector.extract %reduce_sum3A_67[0, 0, 0] : f32 from vector<1x1x1xf32>
    %eq3A_69 = arith.constant 4 : i32
    %eq3A_70 = vector.broadcast %eq3A_69 : i32 to vector<1x176xi32>
    %eq3A_71 = arith.cmpi eq, %select_n3A, %eq3A_70 : vector<1x176xi32>
    %jit3A_72 = arith.constant 0.000000e+00 : f32
    %broadcast_in_dim3A_73 = vector.broadcast %jit3A_72 : f32 to vector<1x176xf32>
    %select_n3A_74 = arith.select %eq3A_71, %broadcast_in_dim3A, %broadcast_in_dim3A_73 : vector<1x176xi1>, vector<1x176xf32>
    %reduce_sum3A_75 = vector.shape_cast %select_n3A_74 : vector<1x176xf32> to vector<1x1x176xf32>
    %reduce_sum3A_76 = arith.constant dense<0.000000e+00> : vector<1xf32>
    %reduce_sum3A_77 = vector.multi_reduction <add>, %reduce_sum3A_75, %reduce_sum3A_76 [1, 2] : vector<1x1x176xf32> to vector<1xf32>
    %reduce_sum3A_78 = vector.shape_cast %reduce_sum3A_77 : vector<1xf32> to vector<1x1x1xf32>
    %reduce_sum3A_79 = vector.extract %reduce_sum3A_78[0, 0, 0] : f32 from vector<1x1x1xf32>
    %eq3A_80 = arith.constant 5 : i32
    %eq3A_81 = vector.broadcast %eq3A_80 : i32 to vector<1x176xi32>
    %eq3A_82 = arith.cmpi eq, %select_n3A, %eq3A_81 : vector<1x176xi32>
    %jit3A_83 = arith.constant 0.000000e+00 : f32
    %broadcast_in_dim3A_84 = vector.broadcast %jit3A_83 : f32 to vector<1x176xf32>
    %select_n3A_85 = arith.select %eq3A_82, %broadcast_in_dim3A, %broadcast_in_dim3A_84 : vector<1x176xi1>, vector<1x176xf32>
    %reduce_sum3A_86 = vector.shape_cast %select_n3A_85 : vector<1x176xf32> to vector<1x1x176xf32>
    %reduce_sum3A_87 = arith.constant dense<0.000000e+00> : vector<1xf32>
    %reduce_sum3A_88 = vector.multi_reduction <add>, %reduce_sum3A_86, %reduce_sum3A_87 [1, 2] : vector<1x1x176xf32> to vector<1xf32>
    %reduce_sum3A_89 = vector.shape_cast %reduce_sum3A_88 : vector<1xf32> to vector<1x1x1xf32>
    %reduce_sum3A_90 = vector.extract %reduce_sum3A_89[0, 0, 0] : f32 from vector<1x1x1xf32>
    %eq3A_91 = arith.constant 6 : i32
    %eq3A_92 = vector.broadcast %eq3A_91 : i32 to vector<1x176xi32>
    %eq3A_93 = arith.cmpi eq, %select_n3A, %eq3A_92 : vector<1x176xi32>
    %jit3A_94 = arith.constant 0.000000e+00 : f32
    %broadcast_in_dim3A_95 = vector.broadcast %jit3A_94 : f32 to vector<1x176xf32>
    %select_n3A_96 = arith.select %eq3A_93, %broadcast_in_dim3A, %broadcast_in_dim3A_95 : vector<1x176xi1>, vector<1x176xf32>
    %reduce_sum3A_97 = vector.shape_cast %select_n3A_96 : vector<1x176xf32> to vector<1x1x176xf32>
    %reduce_sum3A_98 = arith.constant dense<0.000000e+00> : vector<1xf32>
    %reduce_sum3A_99 = vector.multi_reduction <add>, %reduce_sum3A_97, %reduce_sum3A_98 [1, 2] : vector<1x1x176xf32> to vector<1xf32>
    %reduce_sum3A_100 = vector.shape_cast %reduce_sum3A_99 : vector<1xf32> to vector<1x1x1xf32>
    %reduce_sum3A_101 = vector.extract %reduce_sum3A_100[0, 0, 0] : f32 from vector<1x1x1xf32>
    %eq3A_102 = arith.constant 7 : i32
    %eq3A_103 = vector.broadcast %eq3A_102 : i32 to vector<1x176xi32>
    %eq3A_104 = arith.cmpi eq, %select_n3A, %eq3A_103 : vector<1x176xi32>
    %jit3A_105 = arith.constant 0.000000e+00 : f32
    %broadcast_in_dim3A_106 = vector.broadcast %jit3A_105 : f32 to vector<1x176xf32>
    %select_n3A_107 = arith.select %eq3A_104, %broadcast_in_dim3A, %broadcast_in_dim3A_106 : vector<1x176xi1>, vector<1x176xf32>
    %reduce_sum3A_108 = vector.shape_cast %select_n3A_107 : vector<1x176xf32> to vector<1x1x176xf32>
    %reduce_sum3A_109 = arith.constant dense<0.000000e+00> : vector<1xf32>
    %reduce_sum3A_110 = vector.multi_reduction <add>, %reduce_sum3A_108, %reduce_sum3A_109 [1, 2] : vector<1x1x176xf32> to vector<1xf32>
    %reduce_sum3A_111 = vector.shape_cast %reduce_sum3A_110 : vector<1xf32> to vector<1x1x1xf32>
    %reduce_sum3A_112 = vector.extract %reduce_sum3A_111[0, 0, 0] : f32 from vector<1x1x1xf32>
    %eq3A_113 = arith.constant 8 : i32
    %eq3A_114 = vector.broadcast %eq3A_113 : i32 to vector<1x176xi32>
    %eq3A_115 = arith.cmpi eq, %select_n3A, %eq3A_114 : vector<1x176xi32>
    %jit3A_116 = arith.constant 0.000000e+00 : f32
    %broadcast_in_dim3A_117 = vector.broadcast %jit3A_116 : f32 to vector<1x176xf32>
    %select_n3A_118 = arith.select %eq3A_115, %broadcast_in_dim3A, %broadcast_in_dim3A_117 : vector<1x176xi1>, vector<1x176xf32>
    %reduce_sum3A_119 = vector.shape_cast %select_n3A_118 : vector<1x176xf32> to vector<1x1x176xf32>
    %reduce_sum3A_120 = arith.constant dense<0.000000e+00> : vector<1xf32>
    %reduce_sum3A_121 = vector.multi_reduction <add>, %reduce_sum3A_119, %reduce_sum3A_120 [1, 2] : vector<1x1x176xf32> to vector<1xf32>
    %reduce_sum3A_122 = vector.shape_cast %reduce_sum3A_121 : vector<1xf32> to vector<1x1x1xf32>
    %reduce_sum3A_123 = vector.extract %reduce_sum3A_122[0, 0, 0] : f32 from vector<1x1x1xf32>
    %eq3A_124 = arith.constant 9 : i32
    %eq3A_125 = vector.broadcast %eq3A_124 : i32 to vector<1x176xi32>
    %eq3A_126 = arith.cmpi eq, %select_n3A, %eq3A_125 : vector<1x176xi32>
    %jit3A_127 = arith.constant 0.000000e+00 : f32
    %broadcast_in_dim3A_128 = vector.broadcast %jit3A_127 : f32 to vector<1x176xf32>
    %select_n3A_129 = arith.select %eq3A_126, %broadcast_in_dim3A, %broadcast_in_dim3A_128 : vector<1x176xi1>, vector<1x176xf32>
    %reduce_sum3A_130 = vector.shape_cast %select_n3A_129 : vector<1x176xf32> to vector<1x1x176xf32>
    %reduce_sum3A_131 = arith.constant dense<0.000000e+00> : vector<1xf32>
    %reduce_sum3A_132 = vector.multi_reduction <add>, %reduce_sum3A_130, %reduce_sum3A_131 [1, 2] : vector<1x1x176xf32> to vector<1xf32>
    %reduce_sum3A_133 = vector.shape_cast %reduce_sum3A_132 : vector<1xf32> to vector<1x1x1xf32>
    %reduce_sum3A_134 = vector.extract %reduce_sum3A_133[0, 0, 0] : f32 from vector<1x1x1xf32>
    %eq3A_135 = arith.constant 10 : i32
    %eq3A_136 = vector.broadcast %eq3A_135 : i32 to vector<1x176xi32>
    %eq3A_137 = arith.cmpi eq, %select_n3A, %eq3A_136 : vector<1x176xi32>
    %jit3A_138 = arith.constant 0.000000e+00 : f32
    %broadcast_in_dim3A_139 = vector.broadcast %jit3A_138 : f32 to vector<1x176xf32>
    %select_n3A_140 = arith.select %eq3A_137, %broadcast_in_dim3A, %broadcast_in_dim3A_139 : vector<1x176xi1>, vector<1x176xf32>
    %reduce_sum3A_141 = vector.shape_cast %select_n3A_140 : vector<1x176xf32> to vector<1x1x176xf32>
    %reduce_sum3A_142 = arith.constant dense<0.000000e+00> : vector<1xf32>
    %reduce_sum3A_143 = vector.multi_reduction <add>, %reduce_sum3A_141, %reduce_sum3A_142 [1, 2] : vector<1x1x176xf32> to vector<1xf32>
    %reduce_sum3A_144 = vector.shape_cast %reduce_sum3A_143 : vector<1xf32> to vector<1x1x1xf32>
    %reduce_sum3A_145 = vector.extract %reduce_sum3A_144[0, 0, 0] : f32 from vector<1x1x1xf32>
    %add3A = arith.addf %reduce_sum3A_134, %reduce_sum3A_145 : f32
    %abs3A = math.absf %add3A : f32
    %abs3A_146 = math.absf %reduce_sum3A_35 : f32
    %add3A_147 = arith.addf %abs3A, %abs3A_146 : f32
    %abs3A_148 = math.absf %reduce_sum3A_46 : f32
    %add3A_149 = arith.addf %add3A_147, %abs3A_148 : f32
    %abs3A_150 = math.absf %reduce_sum3A_57 : f32
    %add3A_151 = arith.addf %add3A_149, %abs3A_150 : f32
    %abs3A_152 = math.absf %reduce_sum3A_68 : f32
    %add3A_153 = arith.addf %add3A_151, %abs3A_152 : f32
    %abs3A_154 = math.absf %reduce_sum3A_79 : f32
    %add3A_155 = arith.addf %add3A_153, %abs3A_154 : f32
    %abs3A_156 = math.absf %reduce_sum3A_90 : f32
    %add3A_157 = arith.addf %add3A_155, %abs3A_156 : f32
    %abs3A_158 = math.absf %reduce_sum3A_101 : f32
    %add3A_159 = arith.addf %add3A_157, %abs3A_158 : f32
    %abs3A_160 = math.absf %reduce_sum3A_112 : f32
    %add3A_161 = arith.addf %add3A_159, %abs3A_160 : f32
    %abs3A_162 = math.absf %reduce_sum3A_123 : f32
    %add3A_163 = arith.addf %add3A_161, %abs3A_162 : f32
    %mul3A = arith.constant 2.38418579E-7 : f32
    %mul3A_164 = arith.mulf %add3A_163, %mul3A : f32
    %broadcast_in_dim3A_165 = vector.broadcast %mul3A_164 : f32 to vector<1x1xf32>
    %swap3A = arith.constant 0 : index
    %swap3A_166 = arith.constant 0 : index
    %swap3A_167 = vector.load %arg1[%swap3A, %swap3A_166] : memref<1x1xf32, #tpu.memory_space<vmem>>, vector<1x1xf32>
    tpu.vector_store %arg1[%swap3A, %swap3A_166], %broadcast_in_dim3A_165 {strides = array<i32>} : memref<1x1xf32, #tpu.memory_space<vmem>>, vector<1x1xf32>,
    return
  }
}

</mosaic_0001>

<sc_bundles>
// kernel: kernel.4.cloned.1.call-start
scs
__scs_entry_jumppad:
0x0: {  	(pc) =	sbr.rel $0x88, $3  }
0x1: {  	(tag) =	ssettag $0x0;
	lr =	simm.s32 $0x1  }
0x2: {  	[smem:$0x3F9F] =	sst lr;
	_ =	strace $0xD0000000  }
0x3: {  	_ = 	snop  }
0x4: {  	_ = 	snop  }
0x5: {  	_ = 	snop  }
0x6: {  	_ = 	snop  }
0x7: {  	_ = 	snop  }
__scs_overlays_trampoline_lowered:
0x8: {  	[smem:$0x3FAE] =	sst s0  }
0x9: {  	[smem:$0x3FAF] =	sst s1  }
0xa: {  	[smem:$0x3FB0] =	sst s2  }
0xb: {  	[smem:$0x3FB1] =	sst s3  }
0xc: {  	[smem:$0x3FB2] =	sst s4  }
0xd: {  	[smem:$0x3FB3] =	sst s5  }
0xe: {  	[smem:$0x3FB4] =	sst s6  }
0xf: {  	[smem:$0x3FB5] =	sst s7  }
0x10: {  	[smem:$0x3FB6] =	sst s8  }
0x11: {  	[smem:$0x3FB7] =	sst s9;
	s0 =	simm.s32 @!p0 $0x0  }
0x12: {  	s1 =	sld [smem:$0x3F9D];
	s0 =	simm.s32 @p0 $0x1  }
0x13: {  	[smem:$0x3FB8] =	sst s0;
	s0 =	simm.s32 @!p1 $0x0  }
0x14: {  	s2 =	sld [smem:$0x3F9C];
	s0 =	simm.s32 @p1 $0x1  }
0x15: {  	[smem:$0x3FB9] =	sst s0;
	s0 =	simm.s32 @!p2 $0x0  }
0x16: {  	s3 =	sld [smem:$0x3FDB];
	s0 =	simm.s32 @p2 $0x1  }
0x17: {  	s4 =	simm.s32 $0x1BF5;
	[smem:$0x3FBB] =	sst s0  }
0x18: {  	s0 =	sld [smem:$0x3F9E];
	_ =	swait.ge [sflag:s4], $0x0  }
0x19: {  	s7 =	sld [smem:$0x3F9F]  }
0x1a: {  	s8 =	sadd.s32 $0xFFFFE003, lr  }
0x1b: {  	s9 =	sadd.s32 $0xFFFFFEF7, lr;
	s5 =	simm.s32 $0xFFFFFFFF;
	p2 =	slt.u32 s8, $0xFFFFF086  }
0x1c: {  	p1 =	slt.u32 s9, $0xF7A;
	s5 =	simm.s32 @!p2 $0x0  }
0x1d: {  	s5 =	simm.s32 @p1 $0x1;
	p0 =	seq.s32 s7, s2  }
0x1e: {  	s7 =	smul.u32 @!p0 $0xF7A, s2;
	p2 =	seq.s32 @!p0 s5, $0x0  }
0x1f: {  	s9 =	smul.u32 $0xF7A, s1;
	s8 =	simm.s32 @!p0 $0x1BF5;
	p2 =	por !p2, p0  }
0x20: {  	[sflag:s8] =	ssyncset.s32 @!p0 $0xFFFFF086;
	s6 =	sadd.s32 @!p0 s3, s7;
	s7 =	simm.s32 @!p0 $0x108  }
0x21: {  	s3 =	sadd.s32 s3, s9;
	s6 =	sadd.s32 @!p0 $0x88, s6;
	s7 =	simm.s32 @p2 $0x1082  }
0x22: {  	[simem:s7], [sflag:s8] =	dma.local @!p0 [hbm:s6], $0xF7A  }
0x23: {  	s9 =	sor.u32 $0xD0000000, s2;
	s6 =	simm.s32 $0x108;
	_ =	swait.ge @!p0 [sflag:s8], $0x0  }
0x24: {  	s3 =	sadd.s32 $0x88, s3;
	s6 =	simm.s32 @!p1 $0x1082;
	[sflag:s4] =	ssyncset.s32 $0xFFFFF086  }
0x25: {  	[simem:s6], [sflag:s4] =	dma.local [hbm:s3], $0xF7A  }
0x26: {  	[smem:$0x3F9F] =	sst s1;
	(tag) =	ssettag s2;
	_ =	strace s9  }
0x27: {  	s1 =	sld [smem:$0x3FAF]  }
0x28: {  	s2 =	sld [smem:$0x3FB0]  }
0x29: {  	s4 =	sld [smem:$0x3FB2]  }
0x2a: {  	p0 =	seq.s32 s5, $0x0;
	s5 =	sld [smem:$0x3FB3]  }
0x2b: {  	s6 =	sld [smem:$0x3FB4]  }
0x2c: {  	s7 =	sld [smem:$0x3FB5]  }
0x2d: {  	s3 =	simm.s32 $0x108;
	s8 =	sld [smem:$0x3FB6]  }
0x2e: {  	s3 =	simm.s32 @!p0 $0x1082;
	s9 =	sld [smem:$0x3FB7]  }
0x2f: {  	lr =	sadd.s32 s0, s3;
	s0 =	sld [smem:$0x3FAE]  }
0x30: {  	s3 =	sld [smem:$0x3FB1]  }
0x31: {  	[smem:$0x3FBA] =	sst s10  }
0x32: {  	s10 =	sld [smem:$0x3FB8];
	_ =	sdelay $0x3  }
0x33: {  	p0 =	seq.s32 s10, $0x1;
	s10 =	sld [smem:$0x3FBA];
	_ =	sdelay $0x3  }
0x34: {  	[smem:$0x3FBA] =	sst s10  }
0x35: {  	s10 =	sld [smem:$0x3FB9];
	_ =	sdelay $0x3  }
0x36: {  	p1 =	seq.s32 s10, $0x1;
	s10 =	sld [smem:$0x3FBA];
	_ =	sdelay $0x3  }
0x37: {  	[smem:$0x3FBA] =	sst s10  }
0x38: {  	s10 =	sld [smem:$0x3FBB]  }
0x39: {  	_ = 	snop;
	(pc) =	sbr.ind lr, $3  }
0x3a: {  	_ = 	snop  }
0x3b: {  	_ = 	snop  }
0x3c: {  	p2 =	seq.s32 s10, $0x1;
	s10 =	sld [smem:$0x3FBA]  }
0x3d: {  	_ =	shalt  }
0x3e: {  	_ =	shalt  }
0x3f: {  	_ =	shalt  }
0x40: {  	_ =	shalt  }
0x41: {  	_ =	shalt  }
0x42: {  	_ =	shalt  }
0x43: {  	_ =	shalt  }
0x44: {  	_ =	shalt  }
0x45: {  	_ =	shalt  }
0x46: {  	_ =	shalt  }
0x47: {  	_ =	shalt  }
0x48: {  	_ =	shalt  }
0x49: {  	_ =	shalt  }
0x4a: {  	_ =	shalt  }
0x4b: {  	_ =	shalt  }
0x4c: {  	_ =	shalt  }
0x4d: {  	_ =	shalt  }
0x4e: {  	_ =	shalt  }
0x4f: {  	_ =	shalt  }
0x50: {  	_ =	shalt  }
0x51: {  	_ =	shalt  }
0x52: {  	_ =	shalt  }
0x53: {  	_ =	shalt  }
0x54: {  	_ =	shalt  }
0x55: {  	_ =	shalt  }
0x56: {  	_ =	shalt  }
0x57: {  	_ =	shalt  }
0x58: {  	_ =	shalt  }
0x59: {  	_ =	shalt  }
0x5a: {  	_ =	shalt  }
0x5b: {  	_ =	shalt  }
0x5c: {  	_ =	shalt  }
0x5d: {  	_ =	shalt  }
0x5e: {  	_ =	shalt  }
0x5f: {  	_ =	shalt  }
0x60: {  	_ =	shalt  }
0x61: {  	_ =	shalt  }
0x62: {  	_ =	shalt  }
0x63: {  	_ =	shalt  }
0x64: {  	_ =	shalt  }
0x65: {  	_ =	shalt  }
0x66: {  	_ =	shalt  }
0x67: {  	_ =	shalt  }
0x68: {  	_ =	shalt  }
0x69: {  	_ =	shalt  }
0x6a: {  	_ =	shalt  }
0x6b: {  	_ =	shalt  }
0x6c: {  	_ =	shalt  }
0x6d: {  	_ =	shalt  }
0x6e: {  	_ =	shalt  }
0x6f: {  	_ =	shalt  }
0x70: {  	_ =	shalt  }
0x71: {  	_ =	shalt  }
0x72: {  	_ =	shalt  }
0x73: {  	_ =	shalt  }
0x74: {  	_ =	shalt  }
0x75: {  	_ =	shalt  }
0x76: {  	_ =	shalt  }
0x77: {  	_ =	shalt  }
0x78: {  	_ =	shalt  }
0x79: {  	_ =	shalt  }
0x7a: {  	_ =	shalt  }
0x7b: {  	_ =	shalt  }
0x7c: {  	_ =	shalt  }
0x7d: {  	_ =	shalt  }
0x7e: {  	_ =	shalt  }
0x7f: {  	_ =	shalt  }
0x80: {  	_ =	shalt  }
0x81: {  	_ =	shalt  }
0x82: {  	_ =	shalt  }
0x83: {  	_ =	shalt  }
0x84: {  	_ =	shalt  }
0x85: {  	_ =	shalt  }
0x86: {  	_ =	shalt  }
0x87: {  	_ =	shalt  }
.Lfunc_end0:
.L_simem_size_0:
called_computation_lowered:
.L_overlay_start_0:
0x88: {  	s2 =	sld [smem:$0x3FD9]  }
0x89: {  	s3 =	sld [smem:$0x3FFE];
	_ =	sdelay $0x1  }
0x8a: {  	s1 =	srdreg.scid  }
0x8b: {  	s0 =	sand.u32 $0x1, s1  }
0x8c: {  	s17 =	sshll.u32 s0, $0xA;
	s2 =	sadd.s32 s3, s2  }
0x8d: {  	s2 =	sadd.s32 s2, s17  }
0x8e: {  	[smem:$0x3FC6] =	sst s2  }
0x8f: {  	_ = 	snop  }
0x90: {  	s2 =	sld [smem:$0x3FC9]  }
0x91: {  	s18 =	sld [smem:$0x3FC8];
	(tm) =	ssettm $0x1  }
0x92: {  	s4 =	sld [smem:$0x3FFB];
	_ =	sdelay $0x3  }
0x93: {  	_ =	strace s4  }
0x94: {  	s4 =	sld [smem:$0x3FFC];
	_ =	sdelay $0x3  }
0x95: {  	_ =	strace s4  }
0x96: {  	s4 =	sld [smem:$0x3FFD];
	_ =	sdelay $0x3  }
0x97: {  	_ =	strace s4  }
0x98: {  	_ =	strace $0x8FFFFFFF  }
0x99: {  	s19 =	sld [smem:$0x3FDB];
	_ =	sdelay $0x1  }
0x9a: {  	s5 =	simm.s32 $_scs_section_size  }
0x9b: {  	s6 =	simm.s32 $_size__tile_overlayer_lowered;
	s7 =	simm.s32 $_tile_overlayer_lowered  }
0x9c: {  	s22 =	simm.s32 $0x1BFF;
	s21 =	sshll.u32 s7, $0x1;
	s4 =	sadd.s32 s5, s19  }
0x9d: {  	s8 =	simm.s32 $0x0;
	s20 =	sshll.u32 s6, $0x1;
	s6 =	sadd.s32 s21, s4  }
0x9e: {  	[timem:s8], [sflag:s22] =	dma.local [hbm:s6], s20  }
0x9f: {  	_ =	swait.ge [sflag:s22], s20  }
0xa0: {  	s5 =	ssub.s32 $0x0, s20;
	[sflag:s22] =	ssyncset.done $0x0  }
0xa1: {  	[sflag:s22] =	ssyncadd.s32 s5;
	_ =	sdelay $0x1  }
0xa2: {  	s23 =	simm.s32 $0x1B8B  }
0xa3: {  	_ =	swait.ge [sflag:s23], $0x1  }
0xa4: {  	[sflag:s23] =	ssyncset.done $0x0  }
0xa5: {  	s25 =	simm.s32 $0x1B8E;
	s24 =	sld [smem:$0x3FFE];
	[sflag:s23] =	ssyncadd.s32 $0xFFFFFFFF  }
0xa6: {  	s26 =	simm.s32 $execute0_lowered;
	[smem:$0x3FD2] =	sst s25  }
0xa7: {  	s6 =	sshll.u32 s26, $0x1;
	_ =	strace $0x80000046;
	[dreg:$0x1] =	wrdreg $0xFFFFFFFF  }
0xa8: {  	s28 =	simm.s32 $_size_execute0_lowered;
	s4 =	sadd.s32 s4, s6;
	[dreg:$0x0] =	wrdreg $0x0  }
0xa9: {  	s6 =	sshll.u32 s28, $0x1;
	[dreg:$0x2] =	wrdreg s4  }
0xaa: {  	[dreg:$0x3] =	wrdreg s6  }
0xab: {  	[dreg:$0x4] =	wrdreg $0xC0  }
0xac: {  	_ =	task [dreg:s8], $0x5FFFF  }
0xad: {  	[dreg:$0x1] =	wrdreg $0xFFFFFFFF  }
0xae: {  	[dreg:$0x0] =	wrdreg $0x60  }
0xaf: {  	[dreg:$0x2] =	wrdreg s2  }
0xb0: {  	[dreg:$0x3] =	wrdreg s18  }
0xb1: {  	[dreg:$0x4] =	wrdreg s24  }
0xb2: {  	[dreg:$0x5] =	wrdreg $0x9  }
0xb3: {  	_ =	task.clear_ibuf [dreg:s8], $0x6FFFF;
	_ =	strace $0x90000046  }
0xb4: {  	s29 =	simm.s32 $0x9;
	_ =	strace $0x80000048  }
0xb5: {  	_ =	swait.ge [sflag:s29], $0x1  }
0xb6: {  	[sflag:s29] =	ssyncadd.s32 $0xFFFFFFFF  }
0xb7: {  	_ =	strace $0x90000048  }
0xb8: {  	_ =	sfence  }
0xb9: {  	s30 =	sld [smem:$0x0];
	_ =	sdelay $0x2  }
0xba: {  	s31 =	sshll.u32 s1, $0xD;
	s1 =	sshrl.u32 s1, $0x2  }
0xbb: {  	s3 =	sand.u32 $0x4000, s31;
	s1 =	sadd.s32 s1, s30  }
0xbc: {  	s0 =	sor.u32 s3, s0;
	s1 =	sshll.u32 s1, $0x11  }
0xbd: {  	s0 =	sor.u32 s1, s0  }
0xbe: {  	s0 =	sadd.s32 $0x8F2B, s0  }
0xbf: {  	[sflag:s0] =	ssyncadd.remote.s32 $0x1  }
0xc0: {  	_ =	sfence.sel $0xFFFF  }
0xc1: {  	[dreg:$0x0] =	wrdreg $0xFFFFFFFF;
	(pc) =	sbr.abs _section_cstart, $3  }
0xc2: {  	[dreg:$0x1] =	wrdreg $0xFFFFFFFF  }
0xc3: {  	_ =	task.clear_ibuf [dreg:s8], $0x2FFFF;
	_ =	strace $0x9FFFFFFF  }
0xc4: {  	(tm) =	ssettm $0x7FFFFFFF  }
0xc5: {  	_ =	shalt  }
tec
execute0_lowered:
.L_overlay_start_1:
0x0: {  	(tag) =	ssettag $0x1  }
0x1: {  	s1 =	rddreg [dreg:$0x0];
	s2 =	srdreg.scid  }
0x2: {  	s0 =	stileid.u32;
	s3 =	rddreg [dreg:$0x1]  }
0x3: {  	s6 =	rddreg [dreg:$0x2];
	s4 =	simm.s32 $0x0;
	s11 =	simm.s32 $0x8000  }
0x4: {  	s12 =	simm.s32 $0x4000;
	s13 =	simm.s32 $0xC000;
	s14 =	simm.s32 $0x1  }
0x5: {  	s15 =	simm.s32 $0x3;
	s16 =	simm.s32 $0x10000;
	s17 =	simm.s32 $0x2  }
0x6: {  	s18 =	simm.s32 $0x4;
	s19 =	simm.s32 $0x5;
	s20 =	simm.s32 $0x0  }
0x7: {  	s5 =	sand.u32 $0x1, s2;
	s30 =	sshll.u32 s0, $0x1;
	s2 =	rddreg [dreg:$0x3]  }
0x8: {  	[smem:$0x7FF] =	sst s4;
	s7 =	sor.u32 s5, s30;
	s5 =	ssub.s32 $0x2, s5  }
0x9: {  	_ =	strace $0x80000047;
	s8 =	smul.u32 $0x16, s7;
	s31 =	sshrl.u32 s5, $0x1  }
0xa: {  	s10 =	ssub.s32 s5, s31;
	s5 =	sshll.u32 s7, $0x11;
	s7 =	sshll.u32 s7, $0xE  }
0xb: {  	s9 =	sadd.s32 s8, s6;
	s6 =	sadd.s32 s1, s7;
	s7 =	sadd.s32 s3, s7  }
0xc: {  	v0 =	vimm.f32 $0.0e+00;
	v1 =	vlaneseq.u32;
	s8 =	sor.u32 $0x8000, s5;
	s10 =	smax.u32 s10, $0x1;
	s9 =	sadd.s32 $0x400, s9  }
.LBB2_1:
0xd: {  	[tilespmem:$0x10000] =	vst v0  }
0xe: {  	[tilespmem:$0x10010] =	vst v0  }
0xf: {  	[tilespmem:$0x10020] =	vst v0  }
0x10: {  	[tilespmem:$0x10030] =	vst v0  }
0x11: {  	[tilespmem:$0x10040] =	vst v0  }
0x12: {  	[tilespmem:$0x10050] =	vst v0  }
0x13: {  	[tilespmem:$0x10060] =	vst v0  }
0x14: {  	[tilespmem:$0x10070] =	vst v0  }
0x15: {  	[tilespmem:$0x10080] =	vst v0  }
0x16: {  	[tilespmem:$0x10090] =	vst v0  }
0x17: {  	[tilespmem:$0x100A0] =	vst v0  }
0x18: {  	[tilespmem:s4], [sflag:$0x1] =	stream.linear.gather [hbm4b:s6+s4], $0x4000, $0x38;
	[tilespmem:$0x100B0] =	vst v63  }
0x19: {  	s21 =	simm.s32 $0x0  }
0x1a: {  	[tilespmem:s11], [sflag:$0x3] =	stream.linear.gather [hbm4b:s7+s4], $0x4000, $0x38;
	[tilespmem:$0x100B0] =	vst v63  }
.LBB2_2:
0x1b: {  	s22 =	sshll.u32 s21, $0xF  }
0x1c: {  	s23 =	sor.u32 s22, s5  }
0x1d: {  	s23 =	sshrl.u32 s23, $0x3  }
0x1e: {  	s24 =	sor.u32 $0x800, s23  }
0x1f: {  	s23 =	simm.s32 $0x0;
	s25 =	sadd.s32 s1, s24  }
0x20: {  	[tilespmem:s12], [sflag:$0x2] =	stream.linear.gather [hbm4b:s25+s23], $0x4000, $0x38;
	[tilespmem:$0x100B0] =	vst v63  }
0x21: {  	s24 =	sadd.s32 s3, s24  }
0x22: {  	[tilespmem:s13], [sflag:$0x4] =	stream.linear.gather [hbm4b:s24+s23], $0x4000, $0x38;
	[tilespmem:$0x100B0] =	vst v63  }
0x23: {  	_ =	swait.ge [sflag:s14], $0x4000  }
0x24: {  	[sflag:s14] =	ssyncset.done $0x0  }
0x25: {  	[sflag:s14] =	ssyncadd.s32 $0xFFFFC000  }
0x26: {  	_ =	swait.ge [sflag:s15], $0x4000  }
0x27: {  	[sflag:s15] =	ssyncset.done $0x0  }
0x28: {  	[sflag:s15] =	ssyncadd.s32 $0xFFFFC000  }
.LBB2_3:
0x29: {  	s24 =	sshra.s32 s23, $0x2  }
0x2a: {  	v4 =	vld [tilespmem:s24+$0x0]  }
0x2b: {  	v5 =	vld [tilespmem:s24+$0x10]  }
0x2c: {  	v6 =	vld [tilespmem:s24+$0x20];
	_ =	sdelay $0x1  }
0x2d: {  	v7 =	vld [tilespmem:s24+$0x30]  }
0x2e: {  	v2 =	vsub.f32 $0.0e+00, v4  }
0x2f: {  	v9 =	vsub.f32 $0.0e+00, v5  }
0x30: {  	v8 =	vld [tilespmem:s24+$0x40];
	v11 =	vsub.f32 $0.0e+00, v6;
	v2 =	vmul.f32 $1.442695020e+00, v2  }
0x31: {  	v9 =	vmul.f32 $1.442695020e+00, v9  }
0x32: {  	v10 =	vld [tilespmem:s24+$0x50];
	v59 =	vsub.f32 $0.0e+00, v7;
	v11 =	vmul.f32 $1.442695020e+00, v11;
	(erf) = vpow2.f32 v2  }
0x33: {  	v3 =	vld [tilespmem:s24+$0x60];
	(erf) = vpow2.f32 v9  }
0x34: {  	v2 =	vld [tilespmem:s24+$0x70];
	v9 =	vmul.f32 $1.442695020e+00, v59;
	(erf) = vpow2.f32 v11  }
0x35: {  	v24 =	vld [tilespmem:s24+$0x8000];
	v12 =	vsub.f32 $0.0e+00, v8  }
0x36: {  	(erf) = vpow2.f32 v9  }
0x37: {  	v13 =	vsub.f32 $0.0e+00, v10;
	v60 =	vmul.f32 $1.442695020e+00, v12  }
0x38: {  	v61 =	vsub.f32 $0.0e+00, v3  }
0x39: {  	v38 =	vld [tilespmem:s24+$0x8030];
	v62 =	vmul.f32 $1.442695020e+00, v13;
	(erf) = vpow2.f32 v60;
	v63 =	vsub.f32 $0.0e+00, v2  }
0x3a: {  	v29 =	vcvt.s32.f32 v24;
	v16 =	vmul.f32 $1.442695020e+00, v61  }
0x3b: {  	v30 =	vld [tilespmem:s24+$0x8020];
	vm0 =	vgt.f32 v4, $0.0e+00;
	v18 =	vmul.f32 $1.442695020e+00, v63;
	v17 =	vpop (erf);
	(erf) = vpow2.f32 v62  }
0x3c: {  	vm9 =	vgt.f32 v5, $0.0e+00;
	(erf) = vpow2.f32 v16;
	v19 =	vadd.f32 $1.000000000e+00, v17;
	v20 =	vpop (erf)  }
0x3d: {  	vm10 =	vgt.f32 v6, $0.0e+00;
	(erf) = vpow2.f32 v18;
	v9 =	vadd.f32 $1.000000000e+00, v20;
	v21 =	vpop (erf)  }
0x3e: {  	v53 =	vld [tilespmem:s24+$0x8060];
	v45 =	vcvt.s32.f32 v38;
	(erf) = vrcp.f32 v19;
	v11 =	vadd.f32 $1.000000000e+00, v21  }
0x3f: {  	vm11 =	vgt.f32 v7, $0.0e+00;
	vm12 =	vgt.f32 v8, $0.0e+00;
	v16 =	vld [tilespmem:s24+$0x8010];
	v22 =	vpop (erf);
	(erf) = vrcp.f32 v9  }
0x40: {  	v13 =	vcvt.s32.f32 v30;
	v9 =	vadd.f32 $1.000000000e+00, v22;
	(erf) = vrcp.f32 v11  }
0x41: {  	vm13 =	vgt.f32 v10, $0.0e+00;
	vm14 =	vgt.f32 v3, $0.0e+00;
	v19 =	vsub.f32 $1.000000000e+00, v45;
	v21 =	vld [tilespmem:s24+$0x8070]  }
0x42: {  	v47 =	vld [tilespmem:s24+$0x8050];
	v33 =	vsub.f32 $1.000000000e+00, v29;
	v43 =	vsub.f32 $1.000000000e+00, v13;
	v23 =	vpop (erf);
	(erf) = vrcp.f32 v9  }
0x43: {  	v12 =	vadd.f32 $1.000000000e+00, v23;
	v7 =	vsel vm11, v45, v19;
	v19 =	vcvt.s32.f32 v53  }
0x44: {  	v13 =	vsel vm10, v13, v43;
	v34 =	vcvt.s32.f32 v16;
	v9 =	vsel vm0, v29, v33;
	v14 =	vpop (erf)  }
0x45: {  	v60 =	vsub.f32 $1.000000000e+00, v19;
	v15 =	vpop (erf);
	v26 =	vadd.f32 $1.000000000e+00, v14;
	(erf) = vrcp.f32 v12  }
0x46: {  	v39 =	vsub.f32 $1.000000000e+00, v34;
	v59 =	vcvt.s32.f32 v21;
	v25 =	vpop (erf);
	v27 =	vadd.f32 $1.000000000e+00, v15  }
0x47: {  	v41 =	vld [tilespmem:s24+$0x8040];
	v14 =	vcvt.s32.f32 v47;
	v17 =	vpop (erf);
	(erf) = vrcp.f32 v26;
	v11 =	vadd.f32 $1.000000000e+00, v25  }
0x48: {  	v4 =	vsel vm9, v34, v39;
	v28 =	vmul.f32 $1.000000000e+01, v17;
	v31 =	vpop (erf);
	(erf) = vrcp.f32 v27  }
0x49: {  	v23 =	vsub.f32 $1.000000000e+00, v14;
	v18 =	vmul.f32 $1.000000000e+01, v31;
	(erf) = vrcp.f32 v11;
	v37 =	vpop (erf)  }
0x4a: {  	v9 =	vsub.f32 v17, v9;
	v32 =	vtrunc.f32 v28;
	v40 =	vmul.f32 $1.000000000e+01, v37  }
0x4b: {  	v4 =	vsub.f32 v31, v4;
	v42 =	vpop (erf);
	v12 =	vcvt.f32.s32 v32;
	v36 =	vtrunc.f32 v18  }
0x4c: {  	v14 =	vsel vm13, v14, v23;
	v44 =	vmul.f32 $1.000000000e+01, v42;
	v18 =	vcvt.s32.f32 v41  }
0x4d: {  	v5 =	vtrunc.f32 v40;
	v35 =	vshll.u32 v12, $0x4;
	v12 =	vcvt.f32.s32 v36  }
0x4e: {  	v13 =	vsub.f32 v37, v13;
	v5 =	vcvt.f32.s32 v5;
	v6 =	vtrunc.f32 v44;
	v46 =	vpop (erf)  }
0x4f: {  	v49 =	vsub.f32 $1.000000000e+00, v18;
	v11 =	vor.u32 v1, v35;
	v20 =	vmul.f32 $1.000000000e+01, v46  }
0x50: {  	v6 =	vcvt.f32.s32 v6;
	v12 =	vshll.u32 v12, $0x4;
	v5 =	vshll.u32 v5, $0x4;
	v50 =	vpop (erf)  }
0x51: {  	v12 =	vor.u32 v1, v12;
	v48 =	vtrunc.f32 v20;
	v52 =	vpop (erf);
	v54 =	vmul.f32 $1.000000000e+01, v50  }
0x52: {  	v5 =	vor.u32 v1, v5;
	v15 =	vcvt.f32.s32 v48;
	v22 =	vpop (erf);
	v55 =	vmul.f32 $1.000000000e+01, v52  }
0x53: {  	v6 =	vshll.u32 v6, $0x4;
	v20 =	vtrunc.f32 v54;
	v24 =	vmul.f32 $1.000000000e+01, v22  }
0x54: {  	v6 =	vor.u32 v1, v6;
	v20 =	vcvt.f32.s32 v20;
	v56 =	vtrunc.f32 v55  }
0x55: {  	v15 =	vshll.u32 v15, $0x4;
	v10 =	vcvt.f32.s32 v56;
	v57 =	vtrunc.f32 v24  }
0x56: {  	v15 =	vor.u32 v1, v15;
	v20 =	vshll.u32 v20, $0x4;
	v17 =	vcvt.f32.s32 v57  }
0x57: {  	v7 =	vsub.f32 v42, v7;
	[tilespmem:v11+s16+$0x0] =	vst.idx.add.f32.msk $0xffff, v9;
	v58 =	vor.u32 v1, v20;
	v10 =	vshll.u32 v10, $0x4  }
0x58: {  	v51 =	vsel vm12, v18, v49;
	[tilespmem:v12+s16+$0x0] =	vst.idx.add.f32.msk $0xffff, v4;
	v10 =	vor.u32 v1, v10;
	v61 =	vshll.u32 v17, $0x4  }
0x59: {  	p0 =	sne.s32 s23, $0xFE00;
	v3 =	vsub.f32 $1.000000000e+00, v59;
	v16 =	vsub.f32 v46, v51;
	[tilespmem:v5+s16+$0x0] =	vst.idx.add.f32.msk $0xffff, v13;
	v62 =	vor.u32 v1, v61  }
.Ltmp0:
0x5a: {  	vm15 =	vgt.f32 v2, $0.0e+00;
	v63 =	vsub.f32 v50, v14;
	v4 =	vsel vm14, v19, v60;
	[tilespmem:v6+s16+$0x0] =	vst.idx.add.f32.msk $0xffff, v7;
	(pc) =	sbr.rel @p0 .LBB2_3-.Ltmp0, $4  }
0x5b: {  	v3 =	vsel vm15, v59, v3;
	v2 =	vsub.f32 v52, v4;
	[tilespmem:v15+s16+$0x0] =	vst.idx.add.f32.msk $0xffff, v16  }
0x5c: {  	v3 =	vsub.f32 v22, v3;
	[tilespmem:v58+s16+$0x0] =	vst.idx.add.f32.msk $0xffff, v63  }
0x5d: {  	[tilespmem:v10+s16+$0x0] =	vst.idx.add.f32.msk $0xffff, v2  }
0x5e: {  	s23 =	sadd.s32 $0x200, s23;
	[tilespmem:v62+s16+$0x0] =	vst.idx.add.f32.msk $0xffff, v3  }
0x5f: {  	p0 =	seq.s32 s21, $0x3  }
0x60: {  	s22 =	sadd.s32 @!p0 s22, s8  }
0x61: {  	s22 =	sshrl.u32 @!p0 s22, $0x3  }
0x62: {  	s24 =	simm.s32 @!p0 $0x0;
	s23 =	sadd.s32 @!p0 s1, s22  }
0x63: {  	[tilespmem:s24], [sflag:$0x1] =	stream.linear.gather @!p0 [hbm4b:s23+s24], $0x4000, $0x38;
	[tilespmem:$0x100B0] =	vst v63  }
0x64: {  	s22 =	sadd.s32 @!p0 s3, s22;
	s23 =	simm.s32 @!p0 $0x8000  }
0x65: {  	[tilespmem:s23], [sflag:$0x3] =	stream.linear.gather @!p0 [hbm4b:s22+s24], $0x4000, $0x38;
	[tilespmem:$0x100B0] =	vst v63  }
0x66: {  	_ =	swait.ge [sflag:s17], $0x4000  }
0x67: {  	[sflag:s17] =	ssyncset.done $0x0  }
0x68: {  	[sflag:s17] =	ssyncadd.s32 $0xFFFFC000  }
0x69: {  	_ =	swait.ge [sflag:s18], $0x4000  }
0x6a: {  	[sflag:s18] =	ssyncset.done $0x0  }
0x6b: {  	s22 =	simm.s32 $0x0;
	[sflag:s18] =	ssyncadd.s32 $0xFFFFC000  }
.LBB2_5:
0x6c: {  	s23 =	sshra.s32 s22, $0x2  }
0x6d: {  	v4 =	vld [tilespmem:s23+$0x4000]  }
0x6e: {  	v5 =	vld [tilespmem:s23+$0x4010]  }
0x6f: {  	v6 =	vld [tilespmem:s23+$0x4020];
	_ =	sdelay $0x1  }
0x70: {  	v7 =	vld [tilespmem:s23+$0x4030]  }
0x71: {  	v2 =	vsub.f32 $0.0e+00, v4  }
0x72: {  	v9 =	vsub.f32 $0.0e+00, v5  }
0x73: {  	v8 =	vld [tilespmem:s23+$0x4040];
	v11 =	vsub.f32 $0.0e+00, v6;
	v2 =	vmul.f32 $1.442695020e+00, v2  }
0x74: {  	v9 =	vmul.f32 $1.442695020e+00, v9  }
0x75: {  	v10 =	vld [tilespmem:s23+$0x4050];
	v59 =	vsub.f32 $0.0e+00, v7;
	v11 =	vmul.f32 $1.442695020e+00, v11;
	(erf) = vpow2.f32 v2  }
0x76: {  	v3 =	vld [tilespmem:s23+$0x4060];
	(erf) = vpow2.f32 v9  }
0x77: {  	v2 =	vld [tilespmem:s23+$0x4070];
	v9 =	vmul.f32 $1.442695020e+00, v59;
	(erf) = vpow2.f32 v11  }
0x78: {  	v24 =	vld [tilespmem:s23+$0xC000];
	v12 =	vsub.f32 $0.0e+00, v8  }
0x79: {  	(erf) = vpow2.f32 v9  }
0x7a: {  	v13 =	vsub.f32 $0.0e+00, v10;
	v60 =	vmul.f32 $1.442695020e+00, v12  }
0x7b: {  	v61 =	vsub.f32 $0.0e+00, v3  }
0x7c: {  	v38 =	vld [tilespmem:s23+$0xC030];
	v62 =	vmul.f32 $1.442695020e+00, v13;
	(erf) = vpow2.f32 v60;
	v63 =	vsub.f32 $0.0e+00, v2  }
0x7d: {  	v29 =	vcvt.s32.f32 v24;
	v16 =	vmul.f32 $1.442695020e+00, v61  }
0x7e: {  	v30 =	vld [tilespmem:s23+$0xC020];
	vm0 =	vgt.f32 v4, $0.0e+00;
	v18 =	vmul.f32 $1.442695020e+00, v63;
	v17 =	vpop (erf);
	(erf) = vpow2.f32 v62  }
0x7f: {  	vm9 =	vgt.f32 v5, $0.0e+00;
	(erf) = vpow2.f32 v16;
	v19 =	vadd.f32 $1.000000000e+00, v17;
	v20 =	vpop (erf)  }
0x80: {  	vm10 =	vgt.f32 v6, $0.0e+00;
	(erf) = vpow2.f32 v18;
	v9 =	vadd.f32 $1.000000000e+00, v20;
	v21 =	vpop (erf)  }
0x81: {  	v53 =	vld [tilespmem:s23+$0xC060];
	v45 =	vcvt.s32.f32 v38;
	(erf) = vrcp.f32 v19;
	v11 =	vadd.f32 $1.000000000e+00, v21  }
0x82: {  	vm11 =	vgt.f32 v7, $0.0e+00;
	vm12 =	vgt.f32 v8, $0.0e+00;
	v16 =	vld [tilespmem:s23+$0xC010];
	v22 =	vpop (erf);
	(erf) = vrcp.f32 v9  }
0x83: {  	v13 =	vcvt.s32.f32 v30;
	v9 =	vadd.f32 $1.000000000e+00, v22;
	(erf) = vrcp.f32 v11  }
0x84: {  	vm13 =	vgt.f32 v10, $0.0e+00;
	vm14 =	vgt.f32 v3, $0.0e+00;
	v19 =	vsub.f32 $1.000000000e+00, v45;
	v21 =	vld [tilespmem:s23+$0xC070]  }
0x85: {  	v47 =	vld [tilespmem:s23+$0xC050];
	v33 =	vsub.f32 $1.000000000e+00, v29;
	v43 =	vsub.f32 $1.000000000e+00, v13;
	v23 =	vpop (erf);
	(erf) = vrcp.f32 v9  }
0x86: {  	v12 =	vadd.f32 $1.000000000e+00, v23;
	v7 =	vsel vm11, v45, v19;
	v19 =	vcvt.s32.f32 v53  }
0x87: {  	v13 =	vsel vm10, v13, v43;
	v34 =	vcvt.s32.f32 v16;
	v9 =	vsel vm0, v29, v33;
	v14 =	vpop (erf)  }
0x88: {  	v60 =	vsub.f32 $1.000000000e+00, v19;
	v15 =	vpop (erf);
	v26 =	vadd.f32 $1.000000000e+00, v14;
	(erf) = vrcp.f32 v12  }
0x89: {  	v39 =	vsub.f32 $1.000000000e+00, v34;
	v59 =	vcvt.s32.f32 v21;
	v25 =	vpop (erf);
	v27 =	vadd.f32 $1.000000000e+00, v15  }
0x8a: {  	v41 =	vld [tilespmem:s23+$0xC040];
	v14 =	vcvt.s32.f32 v47;
	v17 =	vpop (erf);
	(erf) = vrcp.f32 v26;
	v11 =	vadd.f32 $1.000000000e+00, v25  }
0x8b: {  	v4 =	vsel vm9, v34, v39;
	v28 =	vmul.f32 $1.000000000e+01, v17;
	v31 =	vpop (erf);
	(erf) = vrcp.f32 v27  }
0x8c: {  	v23 =	vsub.f32 $1.000000000e+00, v14;
	v18 =	vmul.f32 $1.000000000e+01, v31;
	(erf) = vrcp.f32 v11;
	v37 =	vpop (erf)  }
0x8d: {  	v9 =	vsub.f32 v17, v9;
	v32 =	vtrunc.f32 v28;
	v40 =	vmul.f32 $1.000000000e+01, v37  }
0x8e: {  	v4 =	vsub.f32 v31, v4;
	v42 =	vpop (erf);
	v12 =	vcvt.f32.s32 v32;
	v36 =	vtrunc.f32 v18  }
0x8f: {  	v14 =	vsel vm13, v14, v23;
	v44 =	vmul.f32 $1.000000000e+01, v42;
	v18 =	vcvt.s32.f32 v41  }
0x90: {  	v5 =	vtrunc.f32 v40;
	v35 =	vshll.u32 v12, $0x4;
	v12 =	vcvt.f32.s32 v36  }
0x91: {  	v13 =	vsub.f32 v37, v13;
	v5 =	vcvt.f32.s32 v5;
	v6 =	vtrunc.f32 v44;
	v46 =	vpop (erf)  }
0x92: {  	v49 =	vsub.f32 $1.000000000e+00, v18;
	v11 =	vor.u32 v1, v35;
	v20 =	vmul.f32 $1.000000000e+01, v46  }
0x93: {  	v6 =	vcvt.f32.s32 v6;
	v12 =	vshll.u32 v12, $0x4;
	v5 =	vshll.u32 v5, $0x4;
	v50 =	vpop (erf)  }
0x94: {  	v12 =	vor.u32 v1, v12;
	v48 =	vtrunc.f32 v20;
	v52 =	vpop (erf);
	v54 =	vmul.f32 $1.000000000e+01, v50  }
0x95: {  	v5 =	vor.u32 v1, v5;
	v15 =	vcvt.f32.s32 v48;
	v22 =	vpop (erf);
	v55 =	vmul.f32 $1.000000000e+01, v52  }
0x96: {  	v6 =	vshll.u32 v6, $0x4;
	v20 =	vtrunc.f32 v54;
	v24 =	vmul.f32 $1.000000000e+01, v22  }
0x97: {  	v6 =	vor.u32 v1, v6;
	v20 =	vcvt.f32.s32 v20;
	v56 =	vtrunc.f32 v55  }
0x98: {  	v15 =	vshll.u32 v15, $0x4;
	v10 =	vcvt.f32.s32 v56;
	v57 =	vtrunc.f32 v24  }
0x99: {  	v15 =	vor.u32 v1, v15;
	v20 =	vshll.u32 v20, $0x4;
	v17 =	vcvt.f32.s32 v57  }
0x9a: {  	v7 =	vsub.f32 v42, v7;
	[tilespmem:v11+s16+$0x0] =	vst.idx.add.f32.msk $0xffff, v9;
	v58 =	vor.u32 v1, v20;
	v10 =	vshll.u32 v10, $0x4  }
0x9b: {  	v51 =	vsel vm12, v18, v49;
	[tilespmem:v12+s16+$0x0] =	vst.idx.add.f32.msk $0xffff, v4;
	v10 =	vor.u32 v1, v10;
	v61 =	vshll.u32 v17, $0x4  }
0x9c: {  	p0 =	sne.s32 s22, $0xFE00;
	v3 =	vsub.f32 $1.000000000e+00, v59;
	v16 =	vsub.f32 v46, v51;
	[tilespmem:v5+s16+$0x0] =	vst.idx.add.f32.msk $0xffff, v13;
	v62 =	vor.u32 v1, v61  }
.Ltmp1:
0x9d: {  	vm15 =	vgt.f32 v2, $0.0e+00;
	v63 =	vsub.f32 v50, v14;
	v4 =	vsel vm14, v19, v60;
	[tilespmem:v6+s16+$0x0] =	vst.idx.add.f32.msk $0xffff, v7;
	(pc) =	sbr.rel @p0 .LBB2_5-.Ltmp1, $4  }
0x9e: {  	v3 =	vsel vm15, v59, v3;
	v2 =	vsub.f32 v52, v4;
	[tilespmem:v15+s16+$0x0] =	vst.idx.add.f32.msk $0xffff, v16  }
0x9f: {  	v3 =	vsub.f32 v22, v3;
	[tilespmem:v58+s16+$0x0] =	vst.idx.add.f32.msk $0xffff, v63  }
0xa0: {  	[tilespmem:v10+s16+$0x0] =	vst.idx.add.f32.msk $0xffff, v2  }
0xa1: {  	s22 =	sadd.s32 $0x200, s22;
	[tilespmem:v62+s16+$0x0] =	vst.idx.add.f32.msk $0xffff, v3  }
0xa2: {  	s21 =	sadd.s32 $0x1, s21  }
0xa3: {  	p0 =	sne.s32 s21, $0x4  }
.Ltmp2:
0xa4: {  	_ = 	snop;
	(pc) =	sbr.rel @p0 .LBB2_2-.Ltmp2, $1  }
0xa5: {  	_ =	sdelay $0x3  }
0xa6: {  	s20 =	sadd.s32 $0x1, s20  }
0xa7: {  	p0 =	sne.s32 s20, s10  }
.Ltmp3:
0xa8: {  	_ = 	snop;
	(pc) =	sbr.rel @p0 .LBB2_1-.Ltmp3, $4  }
0xa9: {  	[hbm4b:s9+s4] =	stream.linear.scatter [tilespmem:s16], [sflag:$0x5], $0xB0, $0x38;
	[tilespmem:$0x100B0] =	vst v63  }
0xaa: {  	_ =	swait.ge [sflag:s19], $0xB0  }
0xab: {  	[sflag:s19] =	ssyncset.done $0x0  }
0xac: {  	[sflag:s19] =	ssyncadd.s32 $0xFFFFFF50  }
0xad: {  	_ =	sfence.sel $0x180000  }
0xae: {  	[bflag:$0x0] =	sbarrier.arrive $0xFFFF  }
0xaf: {  	p0 =	sne.s32 s0, $0x0;
	_ =	strace $0x90000047  }
0xb0: {  	s0 =	sadd.s32 @!p0 $0x100000, s2;
	[bflag:$0x2] =	sbarrier.arrive $0xFFFF  }
0xb1: {  	[sflag:s0] =	ssyncadd.tile.s32 @!p0 $0x1;
	_ =	shalt  }
.Lfunc_end2:
_tile_overlayer_lowered:
.L_overlay_start_2:
0xb2: {  	(tag) =	ssettag $0x2  }
0xb3: {  	s0 =	rddreg [dreg:$0x0];
	s2 =	stileid.u32  }
0xb4: {  	s1 =	rddreg [dreg:$0x1];
	p0 =	sne.s32 s2, $0x0  }
0xb5: {  	s3 =	rddreg [dreg:$0x2];
	[bflag:$0x3] =	sbarrier.arrive $0xFFFF;
	s2 =	simm.s32 @!p0 $0x1C05  }
0xb6: {  	[timem:s3], [sflag:s2] =	dma.local @!p0 [hbm:s0], s1  }
0xb7: {  	s0 =	simm.s32 @!p0 $0x5  }
0xb8: {  	_ =	swait.ge @!p0 [sflag:s0], s1  }
0xb9: {  	s1 =	ssub.s32 @!p0 $0x0, s1;
	[sflag:s0] =	ssyncset.done @!p0 $0x0  }
0xba: {  	[sflag:s0] =	ssyncadd.s32 @!p0 s1  }
0xbb: {  	[bflag:$0x3] =	sbarrier.arrive $0xFFFF  }
0xbc: {  	_ =	shalt  }

</sc_bundles>
